<compile_context>
chip_gen: v7x
topology: tpu7x:2x2x1
jax: 0.10.2.dev20260603
libtpu: 0.0.44.dev20260713+nightly
codegen_flags: <defaults>
</compile_context>

<pallas_src>
import functools

import jax
import jax.numpy as jnp
from jax import lax
from jax.experimental import pallas as pl
from jax.experimental.pallas import tpu as pltpu
from jax.experimental.pallas import tpu_sc as plsc

CH = 160
EP = 128


def _build(n_cores, n_workers, n_chunks, embed, maxlen):
    per_w = n_chunks * CH
    total = n_workers * per_w
    mesh = plsc.VectorSubcoreMesh(core_axis_name="c", subcore_axis_name="s")
    nbuf = 4
    n_steps = -(-(n_chunks + 2) // nbuf)
    import math
    pat = math.lcm(CH, maxlen)
    nrep = pat // maxlen

    @functools.partial(
        pl.kernel,
        out_type=jax.ShapeDtypeStruct((total, EP), jnp.float32),
        mesh=mesh,
        scratch_types=[
            pltpu.VMEM((n_chunks, CH), jnp.int32),
            pltpu.VMEM_SHARED((pat, embed), jnp.float32),
            pltpu.VMEM((nbuf, CH, embed), jnp.float32),
        ]
        + [pltpu.SemaphoreType.DMA] * (3 * nbuf),
        compiler_params=pltpu.CompilerParams(use_tc_tiling_on_sc=False),
    )
    def kern(x_hbm, tok_hbm, pos_hbm, out_hbm, idx_v, shpos, rows, *sems):
        psem = sems[0:nbuf]
        gsem = sems[nbuf:2 * nbuf]
        osem = sems[2 * nbuf:3 * nbuf]
        sid = lax.axis_index("s")
        wid = sid * n_cores + lax.axis_index("c")
        base = wid * per_w

        pltpu.sync_copy(x_hbm.at[wid], idx_v)

        @pl.when(sid == 0)
        def _():
            for i in range(nrep):
                pltpu.sync_copy(pos_hbm, shpos.at[pl.ds(i * maxlen, maxlen)])

        plsc.subcore_barrier()

        def step(t0, carry):
            for k in range(nbuf):
                t = t0 * nbuf + k

                @pl.when(jnp.logical_and(t >= nbuf, t < n_chunks))
                def _():
                    pltpu.make_async_copy(
                        rows.at[k], out_hbm.at[pl.ds(0, CH), pl.ds(0, embed)],
                        osem[k]).wait()

                @pl.when(t < n_chunks)
                def _():
                    poff = lax.rem(t * CH, pat)
                    pltpu.async_copy(
                        shpos.at[pl.ds(poff, CH)], rows.at[k], psem[k])

                c1 = t - 1
                b1 = (k - 1) % nbuf

                @pl.when(jnp.logical_and(c1 >= 0, c1 < n_chunks))
                def _():
                    poff1 = lax.rem(c1 * CH, pat)
                    pltpu.make_async_copy(
                        shpos.at[pl.ds(poff1, CH)], rows.at[b1], psem[b1]).wait()
                    pltpu.async_copy(
                        tok_hbm.at[idx_v.at[c1]], rows.at[b1], gsem[b1], add=True)

                c2 = t - 2
                b2 = (k - 2) % nbuf

                @pl.when(jnp.logical_and(c2 >= 0, c2 < n_chunks))
                def _():
                    pltpu.make_async_copy(
                        tok_hbm.at[idx_v.at[c2]], rows.at[b2], gsem[b2]).wait()
                    pltpu.async_copy(
                        rows.at[b2],
                        out_hbm.at[pl.ds(base + c2 * CH, CH), pl.ds(0, embed)],
                        osem[b2])

            return carry

        lax.fori_loop(0, n_steps, step, 0)

        for b in range(nbuf):
            pltpu.make_async_copy(
                rows.at[b], out_hbm.at[pl.ds(0, CH), pl.ds(0, embed)],
                osem[b]).wait()

    return kern


def _widen(table_t, vocab, embed):
    bc = 8192
    grid = -(-vocab // bc)

    def body(t_ref, o_ref):
        o_ref[:, 0:embed] = jnp.transpose(t_ref[...], (1, 0))

    return pl.pallas_call(
        body,
        grid=(grid,),
        in_specs=[pl.BlockSpec((embed, bc), lambda i: (0, i))],
        out_specs=pl.BlockSpec((bc, EP), lambda i: (i, 0)),
        out_shape=jax.ShapeDtypeStruct((vocab, EP), jnp.float32),
    )(table_t)


def kernel(x, token_table, pos_table):
    batch, maxlen = x.shape
    vocab, embed = token_table.shape
    info = plsc.get_sparse_core_info()
    n_workers = info.num_cores * info.num_subcores
    total = batch * maxlen
    per_w = total // n_workers
    assert total % n_workers == 0 and per_w % CH == 0 and per_w % maxlen == 0
    n_chunks = per_w // CH

    tok128 = _widen(token_table.T, vocab, embed)
    tok2 = tok128.reshape(2 * vocab, embed)
    xr = (x.astype(jnp.int32) * 2).reshape(n_workers, n_chunks, CH)
    kern = _build(info.num_cores, n_workers, n_chunks, embed, maxlen)
    out = kern(xr, tok2, pos_table)
    return out[:, :embed].reshape(batch, maxlen, embed)

# --- scband reference (transcript-rebuilt; emitter-appended) ---
"""Pipeline reference for scband-token-and-position-embedding-52690658787438 (READ-ONLY COPY).

The authoritative reference and input builder live on the scoring server;
editing this copy changes nothing except your own understanding.
"""

import jax, jax.numpy as jnp
import numpy as np

VOCAB = 1000000
MAXLEN = 200
EMBED = 64
BATCH = 4096

def setup_inputs(seed: int = 0) -> dict:
    key = jax.random.key(seed)
    k1, k2, k3 = jax.random.split(key, 3)
    x = jax.random.randint(k1, (BATCH, MAXLEN), 0, VOCAB, dtype=jnp.int64 if jax.config.jax_enable_x64 else jnp.int32)
    token_table = jax.random.normal(k2, (VOCAB, EMBED), dtype=jnp.float32) * 0.02
    pos_table = jax.random.normal(k3, (MAXLEN, EMBED), dtype=jnp.float32) * 0.02
    return {"x": x, "token_table": token_table, "pos_table": pos_table}

def reference(x, token_table, pos_table):
    # TokenAndPositionEmbedding.call:
    #   positions = range(0, maxlen); pos_embed(positions); token_embed(x); sum
    maxlen = x.shape[-1]
    positions = jnp.arange(0, maxlen)
    pos = jnp.take(pos_table, positions, axis=0)          # [maxlen, embed]
    tok = jnp.take(token_table, x, axis=0)                # [B, maxlen, embed]
    return tok + pos[None, :, :]

if __name__ == "__main__":
    import jax
    _d = setup_inputs()
    print(jax.jit(kernel)(*tuple(_d.values())))

</pallas_src>

<mosaic_0001>
#map = affine_map<(d0, d1) -> (0, 0, 0)>
#map1 = affine_map<(d0, d1) -> (0, 0)>
module attributes {stable_mosaic.version = 14 : i64} {
  func.func @kern(%arg0: i32, %arg1: i32, %arg2: memref<32x160x160xi32, #tpu.memory_space<hbm>>, %arg3: memref<2000000x64xf32, #tpu.memory_space<hbm>>, %arg4: memref<200x64xf32, #tpu.memory_space<hbm>>, %arg5: memref<819200x128xf32, #tpu.memory_space<hbm>>, %arg6: memref<160x160xi32, #tpu.memory_space<vmem>>, %arg7: memref<800x64xf32, #tpu.memory_space<vmem_shared>>, %arg8: memref<4x160x64xf32, #tpu.memory_space<vmem>>, %arg9: memref<!tpu.dma_semaphore, #tpu.memory_space<semaphore_mem>>, %arg10: memref<!tpu.dma_semaphore, #tpu.memory_space<semaphore_mem>>, %arg11: memref<!tpu.dma_semaphore, #tpu.memory_space<semaphore_mem>>, %arg12: memref<!tpu.dma_semaphore, #tpu.memory_space<semaphore_mem>>, %arg13: memref<!tpu.dma_semaphore, #tpu.memory_space<semaphore_mem>>, %arg14: memref<!tpu.dma_semaphore, #tpu.memory_space<semaphore_mem>>, %arg15: memref<!tpu.dma_semaphore, #tpu.memory_space<semaphore_mem>>, %arg16: memref<!tpu.dma_semaphore, #tpu.memory_space<semaphore_mem>>, %arg17: memref<!tpu.dma_semaphore, #tpu.memory_space<semaphore_mem>>, %arg18: memref<!tpu.dma_semaphore, #tpu.memory_space<semaphore_mem>>, %arg19: memref<!tpu.dma_semaphore, #tpu.memory_space<semaphore_mem>>, %arg20: memref<!tpu.dma_semaphore, #tpu.memory_space<semaphore_mem>>) attributes {dimension_semantics = [#tpu.dimension_semantics<core_parallel>, #tpu.dimension_semantics<subcore_parallel>], iteration_bounds = array<i64: 2, 16>, scalar_prefetch = 0 : i64, scratch_operands = 15 : i64, tpu.core_type = #tpu.core_type<sc_vector_subcore>, window_params = [{transform_indices = #map}, {transform_indices = #map1}, {transform_indices = #map1}, {transform_indices = #map1}]} {
    %mul3A = arith.constant 2 : i32
    %mul3A_0 = arith.muli %arg1, %mul3A : i32
    %add3A = arith.addi %mul3A_0, %arg0 : i32
    %mul3A_1 = arith.constant 25600 : i32
    %mul3A_2 = arith.muli %add3A, %mul3A_1 : i32
    "tpu.region"() ({
      %run_scoped3A = tpu.sem_alloc : memref<!tpu.dma_semaphore, #tpu.memory_space<semaphore_mem>>
      %dma_start3A = arith.constant 0 : i32
      %dma_start3A_69 = arith.constant 0 : i32
      %dma_start3A_70 = tpu.memref_slice %arg2[%add3A, %dma_start3A, %dma_start3A_69] : memref<32x160x160xi32, #tpu.memory_space<hbm>> -> memref<1x160x160xi32, #tpu.memory_space<hbm>>
      %dma_start3A_71 = tpu.memref_squeeze %dma_start3A_70 : memref<1x160x160xi32, #tpu.memory_space<hbm>> -> memref<160x160xi32, #tpu.memory_space<hbm>>
      %dma_start3A_72 = arith.constant 0 : i32
      %dma_start3A_73 = arith.constant 0 : i32
      %dma_start3A_74 = tpu.memref_slice %arg2[%add3A, %dma_start3A_72, %dma_start3A_73] : memref<32x160x160xi32, #tpu.memory_space<hbm>> -> memref<1x160x160xi32, #tpu.memory_space<hbm>>
      %dma_start3A_75 = tpu.memref_squeeze %dma_start3A_74 : memref<1x160x160xi32, #tpu.memory_space<hbm>> -> memref<160x160xi32, #tpu.memory_space<hbm>>
      tpu.enqueue_dma source(%dma_start3A_75 : memref<160x160xi32, #tpu.memory_space<hbm>>) target(%arg6 : memref<160x160xi32, #tpu.memory_space<vmem>>) target_semaphore(%run_scoped3A : memref<!tpu.dma_semaphore, #tpu.memory_space<semaphore_mem>>)
      %dma_wait3A_76 = arith.constant 0 : i32
      %dma_wait3A_77 = arith.constant 0 : i32
      %dma_wait3A_78 = tpu.memref_slice %arg2[%add3A, %dma_wait3A_76, %dma_wait3A_77] : memref<32x160x160xi32, #tpu.memory_space<hbm>> -> memref<1x160x160xi32, #tpu.memory_space<hbm>>
      %dma_wait3A_79 = tpu.memref_squeeze %dma_wait3A_78 : memref<1x160x160xi32, #tpu.memory_space<hbm>> -> memref<160x160xi32, #tpu.memory_space<hbm>>
      %dma_wait3A_80 = arith.constant 0 : i32
      %dma_wait3A_81 = arith.constant 0 : i32
      %dma_wait3A_82 = tpu.memref_slice %arg2[%add3A, %dma_wait3A_80, %dma_wait3A_81] : memref<32x160x160xi32, #tpu.memory_space<hbm>> -> memref<1x160x160xi32, #tpu.memory_space<hbm>>
      %dma_wait3A_83 = tpu.memref_squeeze %dma_wait3A_82 : memref<1x160x160xi32, #tpu.memory_space<hbm>> -> memref<160x160xi32, #tpu.memory_space<hbm>>
      tpu.wait_dma2 semaphore(%run_scoped3A : memref<!tpu.dma_semaphore, #tpu.memory_space<semaphore_mem>>) src(%dma_wait3A_83 : memref<160x160xi32, #tpu.memory_space<hbm>>) dst(%arg6 : memref<160x160xi32, #tpu.memory_space<vmem>>)
      tpu.yield
    }) : () -> ()
    %eq3A = arith.constant 0 : i32
    %eq3A_3 = arith.cmpi eq, %arg1, %eq3A : i32
    %convert_element_type3A = arith.extui %eq3A_3 : i1 to i32
    %cond3A = arith.constant 0 : i32
    %cond3A_4 = arith.cmpi ne, %convert_element_type3A, %cond3A : i32
    scf.if %cond3A_4 {
      "tpu.region"() ({
        %run_scoped3A = tpu.sem_alloc : memref<!tpu.dma_semaphore, #tpu.memory_space<semaphore_mem>>
        %dma_start3A = arith.constant 0 : i32
        %dma_start3A_69 = arith.constant 0 : i32
        %dma_start3A_70 = tpu.memref_slice %arg7[%dma_start3A, %dma_start3A_69] : memref<800x64xf32, #tpu.memory_space<vmem_shared>> -> memref<200x64xf32, #tpu.memory_space<vmem_shared>>
        tpu.enqueue_dma source(%arg4 : memref<200x64xf32, #tpu.memory_space<hbm>>) target(%dma_start3A_70 : memref<200x64xf32, #tpu.memory_space<vmem_shared>>) target_semaphore(%run_scoped3A : memref<!tpu.dma_semaphore, #tpu.memory_space<semaphore_mem>>)
        %dma_wait3A_71 = arith.constant 0 : i32
        %dma_wait3A_72 = arith.constant 0 : i32
        %dma_wait3A_73 = tpu.memref_slice %arg7[%dma_wait3A_71, %dma_wait3A_72] : memref<800x64xf32, #tpu.memory_space<vmem_shared>> -> memref<200x64xf32, #tpu.memory_space<vmem_shared>>
        tpu.wait_dma2 semaphore(%run_scoped3A : memref<!tpu.dma_semaphore, #tpu.memory_space<semaphore_mem>>) src(%arg4 : memref<200x64xf32, #tpu.memory_space<hbm>>) dst(%dma_wait3A_73 : memref<200x64xf32, #tpu.memory_space<vmem_shared>>)
        tpu.yield
      }) : () -> ()
      "tpu.region"() ({
        %run_scoped3A = tpu.sem_alloc : memref<!tpu.dma_semaphore, #tpu.memory_space<semaphore_mem>>
        %dma_start3A = arith.constant 200 : i32
        %dma_start3A_69 = arith.constant 0 : i32
        %dma_start3A_70 = tpu.memref_slice %arg7[%dma_start3A, %dma_start3A_69] : memref<800x64xf32, #tpu.memory_space<vmem_shared>> -> memref<200x64xf32, #tpu.memory_space<vmem_shared>>
        tpu.enqueue_dma source(%arg4 : memref<200x64xf32, #tpu.memory_space<hbm>>) target(%dma_start3A_70 : memref<200x64xf32, #tpu.memory_space<vmem_shared>>) target_semaphore(%run_scoped3A : memref<!tpu.dma_semaphore, #tpu.memory_space<semaphore_mem>>)
        %dma_wait3A_71 = arith.constant 200 : i32
        %dma_wait3A_72 = arith.constant 0 : i32
        %dma_wait3A_73 = tpu.memref_slice %arg7[%dma_wait3A_71, %dma_wait3A_72] : memref<800x64xf32, #tpu.memory_space<vmem_shared>> -> memref<200x64xf32, #tpu.memory_space<vmem_shared>>
        tpu.wait_dma2 semaphore(%run_scoped3A : memref<!tpu.dma_semaphore, #tpu.memory_space<semaphore_mem>>) src(%arg4 : memref<200x64xf32, #tpu.memory_space<hbm>>) dst(%dma_wait3A_73 : memref<200x64xf32, #tpu.memory_space<vmem_shared>>)
        tpu.yield
      }) : () -> ()
      "tpu.region"() ({
        %run_scoped3A = tpu.sem_alloc : memref<!tpu.dma_semaphore, #tpu.memory_space<semaphore_mem>>
        %dma_start3A = arith.constant 400 : i32
        %dma_start3A_69 = arith.constant 0 : i32
        %dma_start3A_70 = tpu.memref_slice %arg7[%dma_start3A, %dma_start3A_69] : memref<800x64xf32, #tpu.memory_space<vmem_shared>> -> memref<200x64xf32, #tpu.memory_space<vmem_shared>>
        tpu.enqueue_dma source(%arg4 : memref<200x64xf32, #tpu.memory_space<hbm>>) target(%dma_start3A_70 : memref<200x64xf32, #tpu.memory_space<vmem_shared>>) target_semaphore(%run_scoped3A : memref<!tpu.dma_semaphore, #tpu.memory_space<semaphore_mem>>)
        %dma_wait3A_71 = arith.constant 400 : i32
        %dma_wait3A_72 = arith.constant 0 : i32
        %dma_wait3A_73 = tpu.memref_slice %arg7[%dma_wait3A_71, %dma_wait3A_72] : memref<800x64xf32, #tpu.memory_space<vmem_shared>> -> memref<200x64xf32, #tpu.memory_space<vmem_shared>>
        tpu.wait_dma2 semaphore(%run_scoped3A : memref<!tpu.dma_semaphore, #tpu.memory_space<semaphore_mem>>) src(%arg4 : memref<200x64xf32, #tpu.memory_space<hbm>>) dst(%dma_wait3A_73 : memref<200x64xf32, #tpu.memory_space<vmem_shared>>)
        tpu.yield
      }) : () -> ()
      "tpu.region"() ({
        %run_scoped3A = tpu.sem_alloc : memref<!tpu.dma_semaphore, #tpu.memory_space<semaphore_mem>>
        %dma_start3A = arith.constant 600 : i32
        %dma_start3A_69 = arith.constant 0 : i32
        %dma_start3A_70 = tpu.memref_slice %arg7[%dma_start3A, %dma_start3A_69] : memref<800x64xf32, #tpu.memory_space<vmem_shared>> -> memref<200x64xf32, #tpu.memory_space<vmem_shared>>
        tpu.enqueue_dma source(%arg4 : memref<200x64xf32, #tpu.memory_space<hbm>>) target(%dma_start3A_70 : memref<200x64xf32, #tpu.memory_space<vmem_shared>>) target_semaphore(%run_scoped3A : memref<!tpu.dma_semaphore, #tpu.memory_space<semaphore_mem>>)
        %dma_wait3A_71 = arith.constant 600 : i32
        %dma_wait3A_72 = arith.constant 0 : i32
        %dma_wait3A_73 = tpu.memref_slice %arg7[%dma_wait3A_71, %dma_wait3A_72] : memref<800x64xf32, #tpu.memory_space<vmem_shared>> -> memref<200x64xf32, #tpu.memory_space<vmem_shared>>
        tpu.wait_dma2 semaphore(%run_scoped3A : memref<!tpu.dma_semaphore, #tpu.memory_space<semaphore_mem>>) src(%arg4 : memref<200x64xf32, #tpu.memory_space<hbm>>) dst(%dma_wait3A_73 : memref<200x64xf32, #tpu.memory_space<vmem_shared>>)
        tpu.yield
      }) : () -> ()
    } else {
    }
    %barrier3A = arith.constant 0 : index
    tpu.barrier barrier_id(%barrier3A)
    %scan3A = arith.constant 0 : i32
    %scan3A_5 = arith.constant 0 : i32
    %scan3A_6 = arith.constant 41 : i32
    %scan3A_7 = arith.addi %scan3A_5, %scan3A_6 : i32
    %scan3A_8 = arith.constant 1 : i32
    scf.for %scan3A_69 = %scan3A_5 to %scan3A_7 step %scan3A_8  : i32 {
      %mul3A_70 = arith.constant 4 : i32
      %mul3A_71 = arith.muli %scan3A_69, %mul3A_70 : i32
      %add3A_72 = arith.constant 0 : i32
      %add3A_73 = arith.addi %mul3A_71, %add3A_72 : i32
      %ge3A = arith.constant 4 : i32
      %ge3A_74 = arith.cmpi sge, %add3A_73, %ge3A : i32
      %lt3A = arith.constant 160 : i32
      %lt3A_75 = arith.cmpi slt, %add3A_73, %lt3A : i32
      %and3A = arith.andi %ge3A_74, %lt3A_75 : i1
      %convert_element_type3A_76 = arith.extui %and3A : i1 to i32
      %cond3A_77 = arith.constant 0 : i32
      %cond3A_78 = arith.cmpi ne, %convert_element_type3A_76, %cond3A_77 : i32
      scf.if %cond3A_78 {
        %dma_wait3A_214 = arith.constant 0 : i32
        %dma_wait3A_215 = arith.constant 0 : i32
        %dma_wait3A_216 = arith.constant 0 : i32
        %dma_wait3A_217 = tpu.memref_slice %arg8[%dma_wait3A_214, %dma_wait3A_215, %dma_wait3A_216] : memref<4x160x64xf32, #tpu.memory_space<vmem>> -> memref<1x160x64xf32, #tpu.memory_space<vmem>>
        %dma_wait3A_218 = tpu.memref_squeeze %dma_wait3A_217 : memref<1x160x64xf32, #tpu.memory_space<vmem>> -> memref<160x64xf32, #tpu.memory_space<vmem>>
        %dma_wait3A_219 = arith.constant 0 : i32
        %dma_wait3A_220 = arith.constant 0 : i32
        %dma_wait3A_221 = tpu.memref_slice %arg5[%dma_wait3A_219, %dma_wait3A_220] : memref<819200x128xf32, #tpu.memory_space<hbm>> -> memref<160x64xf32, #tpu.memory_space<hbm>>
        %dma_wait3A_222 = arith.constant 0 : i32
        %dma_wait3A_223 = arith.constant 0 : i32
        %dma_wait3A_224 = tpu.memref_slice %arg5[%dma_wait3A_222, %dma_wait3A_223] : memref<819200x128xf32, #tpu.memory_space<hbm>> -> memref<160x64xf32, #tpu.memory_space<hbm>>
        %dma_wait3A_225 = arith.constant 0 : i32
        %dma_wait3A_226 = arith.constant 0 : i32
        %dma_wait3A_227 = tpu.memref_slice %arg8[%dma_wait3A_214, %dma_wait3A_225, %dma_wait3A_226] : memref<4x160x64xf32, #tpu.memory_space<vmem>> -> memref<1x160x64xf32, #tpu.memory_space<vmem>>
        %dma_wait3A_228 = tpu.memref_squeeze %dma_wait3A_227 : memref<1x160x64xf32, #tpu.memory_space<vmem>> -> memref<160x64xf32, #tpu.memory_space<vmem>>
        tpu.wait_dma2 semaphore(%arg17 : memref<!tpu.dma_semaphore, #tpu.memory_space<semaphore_mem>>) src(%dma_wait3A_228 : memref<160x64xf32, #tpu.memory_space<vmem>>) dst(%dma_wait3A_224 : memref<160x64xf32, #tpu.memory_space<hbm>>)
      } else {
      }
      %lt3A_79 = arith.constant 160 : i32
      %lt3A_80 = arith.cmpi slt, %add3A_73, %lt3A_79 : i32
      %convert_element_type3A_81 = arith.extui %lt3A_80 : i1 to i32
      %cond3A_82 = arith.constant 0 : i32
      %cond3A_83 = arith.cmpi ne, %convert_element_type3A_81, %cond3A_82 : i32
      scf.if %cond3A_83 {
        %mul3A_214 = arith.constant 160 : i32
        %mul3A_215 = arith.muli %add3A_73, %mul3A_214 : i32
        %rem3A = arith.constant 800 : i32
        %rem3A_216 = arith.remsi %mul3A_215, %rem3A : i32
        %dma_start3A = arith.constant 0 : i32
        %dma_start3A_217 = arith.constant 0 : i32
        %dma_start3A_218 = arith.constant 0 : i32
        %dma_start3A_219 = tpu.memref_slice %arg8[%dma_start3A, %dma_start3A_217, %dma_start3A_218] : memref<4x160x64xf32, #tpu.memory_space<vmem>> -> memref<1x160x64xf32, #tpu.memory_space<vmem>>
        %dma_start3A_220 = tpu.memref_squeeze %dma_start3A_219 : memref<1x160x64xf32, #tpu.memory_space<vmem>> -> memref<160x64xf32, #tpu.memory_space<vmem>>
        %dma_start3A_221 = arith.constant 0 : i32
        %dma_start3A_222 = tpu.memref_slice %arg7[%rem3A_216, %dma_start3A_221] : memref<800x64xf32, #tpu.memory_space<vmem_shared>> -> memref<160x64xf32, #tpu.memory_space<vmem_shared>>
        %dma_start3A_223 = arith.constant 0 : i32
        %dma_start3A_224 = arith.constant 0 : i32
        %dma_start3A_225 = tpu.memref_slice %arg8[%dma_start3A, %dma_start3A_223, %dma_start3A_224] : memref<4x160x64xf32, #tpu.memory_space<vmem>> -> memref<1x160x64xf32, #tpu.memory_space<vmem>>
        %dma_start3A_226 = tpu.memref_squeeze %dma_start3A_225 : memref<1x160x64xf32, #tpu.memory_space<vmem>> -> memref<160x64xf32, #tpu.memory_space<vmem>>
        %dma_start3A_227 = arith.constant 0 : i32
        %dma_start3A_228 = tpu.memref_slice %arg7[%rem3A_216, %dma_start3A_227] : memref<800x64xf32, #tpu.memory_space<vmem_shared>> -> memref<160x64xf32, #tpu.memory_space<vmem_shared>>
        tpu.enqueue_dma source(%dma_start3A_228 : memref<160x64xf32, #tpu.memory_space<vmem_shared>>) target(%dma_start3A_226 : memref<160x64xf32, #tpu.memory_space<vmem>>) target_semaphore(%arg9 : memref<!tpu.dma_semaphore, #tpu.memory_space<semaphore_mem>>)
      } else {
      }
      %sub3A = arith.constant 1 : i32
      %sub3A_84 = arith.subi %add3A_73, %sub3A : i32
      %ge3A_85 = arith.constant 0 : i32
      %ge3A_86 = arith.cmpi sge, %sub3A_84, %ge3A_85 : i32
      %lt3A_87 = arith.constant 160 : i32
      %lt3A_88 = arith.cmpi slt, %sub3A_84, %lt3A_87 : i32
      %and3A_89 = arith.andi %ge3A_86, %lt3A_88 : i1
      %convert_element_type3A_90 = arith.extui %and3A_89 : i1 to i32
      %cond3A_91 = arith.constant 0 : i32
      %cond3A_92 = arith.cmpi ne, %convert_element_type3A_90, %cond3A_91 : i32
      scf.if %cond3A_92 {
        %mul3A_214 = arith.constant 160 : i32
        %mul3A_215 = arith.muli %sub3A_84, %mul3A_214 : i32
        %rem3A = arith.constant 800 : i32
        %rem3A_216 = arith.remsi %mul3A_215, %rem3A : i32
        %dma_wait3A_217 = arith.constant 3 : i32
        %dma_wait3A_218 = arith.constant 0 : i32
        %dma_wait3A_219 = arith.constant 0 : i32
        %dma_wait3A_220 = tpu.memref_slice %arg8[%dma_wait3A_217, %dma_wait3A_218, %dma_wait3A_219] : memref<4x160x64xf32, #tpu.memory_space<vmem>> -> memref<1x160x64xf32, #tpu.memory_space<vmem>>
        %dma_wait3A_221 = tpu.memref_squeeze %dma_wait3A_220 : memref<1x160x64xf32, #tpu.memory_space<vmem>> -> memref<160x64xf32, #tpu.memory_space<vmem>>
        %dma_wait3A_222 = arith.constant 0 : i32
        %dma_wait3A_223 = tpu.memref_slice %arg7[%rem3A_216, %dma_wait3A_222] : memref<800x64xf32, #tpu.memory_space<vmem_shared>> -> memref<160x64xf32, #tpu.memory_space<vmem_shared>>
        %dma_wait3A_224 = arith.constant 0 : i32
        %dma_wait3A_225 = arith.constant 0 : i32
        %dma_wait3A_226 = tpu.memref_slice %arg8[%dma_wait3A_217, %dma_wait3A_224, %dma_wait3A_225] : memref<4x160x64xf32, #tpu.memory_space<vmem>> -> memref<1x160x64xf32, #tpu.memory_space<vmem>>
        %dma_wait3A_227 = tpu.memref_squeeze %dma_wait3A_226 : memref<1x160x64xf32, #tpu.memory_space<vmem>> -> memref<160x64xf32, #tpu.memory_space<vmem>>
        %dma_wait3A_228 = arith.constant 0 : i32
        %dma_wait3A_229 = tpu.memref_slice %arg7[%rem3A_216, %dma_wait3A_228] : memref<800x64xf32, #tpu.memory_space<vmem_shared>> -> memref<160x64xf32, #tpu.memory_space<vmem_shared>>
        tpu.wait_dma2 semaphore(%arg12 : memref<!tpu.dma_semaphore, #tpu.memory_space<semaphore_mem>>) src(%dma_wait3A_229 : memref<160x64xf32, #tpu.memory_space<vmem_shared>>) dst(%dma_wait3A_227 : memref<160x64xf32, #tpu.memory_space<vmem>>)
        %dma_start3A = arith.constant 3 : i32
        %dma_start3A_230 = arith.constant 0 : i32
        %dma_start3A_231 = arith.constant 0 : i32
        %dma_start3A_232 = tpu.memref_slice %arg8[%dma_start3A, %dma_start3A_230, %dma_start3A_231] : memref<4x160x64xf32, #tpu.memory_space<vmem>> -> memref<1x160x64xf32, #tpu.memory_space<vmem>>
        %dma_start3A_233 = tpu.memref_squeeze %dma_start3A_232 : memref<1x160x64xf32, #tpu.memory_space<vmem>> -> memref<160x64xf32, #tpu.memory_space<vmem>>
        %dma_start3A_234 = arith.constant 0 : i32
        %dma_start3A_235 = tpu.memref_slice %arg6[%sub3A_84, %dma_start3A_234] : memref<160x160xi32, #tpu.memory_space<vmem>> -> memref<1x160xi32, #tpu.memory_space<vmem>>
        %dma_start3A_236 = tpu.memref_squeeze %dma_start3A_235 : memref<1x160xi32, #tpu.memory_space<vmem>> -> memref<160xi32, #tpu.memory_space<vmem>>
        %dma_start3A_237 = arith.constant 0 : i32
        %dma_start3A_238 = arith.constant 0 : i32
        %dma_start3A_239 = tpu.memref_slice %arg3[%dma_start3A_237, %dma_start3A_238] : memref<2000000x64xf32, #tpu.memory_space<hbm>> -> memref<2000000x64xf32, #tpu.memory_space<hbm>>
        tpu.enqueue_indirect_dma source(%dma_start3A_239 : memref<2000000x64xf32, #tpu.memory_space<hbm>>) target(%dma_start3A_233 : memref<160x64xf32, #tpu.memory_space<vmem>>) offsets(%dma_start3A_236 : memref<160xi32, #tpu.memory_space<vmem>>) semaphore(%arg16 : memref<!tpu.dma_semaphore, #tpu.memory_space<semaphore_mem>>) {add = true}
      } else {
      }
      %sub3A_93 = arith.constant 2 : i32
      %sub3A_94 = arith.subi %add3A_73, %sub3A_93 : i32
      %ge3A_95 = arith.constant 0 : i32
      %ge3A_96 = arith.cmpi sge, %sub3A_94, %ge3A_95 : i32
      %lt3A_97 = arith.constant 160 : i32
      %lt3A_98 = arith.cmpi slt, %sub3A_94, %lt3A_97 : i32
      %and3A_99 = arith.andi %ge3A_96, %lt3A_98 : i1
      %convert_element_type3A_100 = arith.extui %and3A_99 : i1 to i32
      %cond3A_101 = arith.constant 0 : i32
      %cond3A_102 = arith.cmpi ne, %convert_element_type3A_100, %cond3A_101 : i32
      scf.if %cond3A_102 {
        %dma_wait3A_214 = arith.constant 2 : i32
        %dma_wait3A_215 = arith.constant 0 : i32
        %dma_wait3A_216 = arith.constant 0 : i32
        %dma_wait3A_217 = tpu.memref_slice %arg8[%dma_wait3A_214, %dma_wait3A_215, %dma_wait3A_216] : memref<4x160x64xf32, #tpu.memory_space<vmem>> -> memref<1x160x64xf32, #tpu.memory_space<vmem>>
        %dma_wait3A_218 = tpu.memref_squeeze %dma_wait3A_217 : memref<1x160x64xf32, #tpu.memory_space<vmem>> -> memref<160x64xf32, #tpu.memory_space<vmem>>
        %dma_wait3A_219 = arith.constant 0 : i32
        %dma_wait3A_220 = tpu.memref_slice %arg6[%sub3A_94, %dma_wait3A_219] : memref<160x160xi32, #tpu.memory_space<vmem>> -> memref<1x160xi32, #tpu.memory_space<vmem>>
        %dma_wait3A_221 = tpu.memref_squeeze %dma_wait3A_220 : memref<1x160xi32, #tpu.memory_space<vmem>> -> memref<160xi32, #tpu.memory_space<vmem>>
        %dma_wait3A_222 = arith.constant 0 : i32
        %dma_wait3A_223 = arith.constant 0 : i32
        %dma_wait3A_224 = tpu.memref_slice %arg3[%dma_wait3A_222, %dma_wait3A_223] : memref<2000000x64xf32, #tpu.memory_space<hbm>> -> memref<2000000x64xf32, #tpu.memory_space<hbm>>
        tpu.wait_indirect_dma semaphore(%arg15 : memref<!tpu.dma_semaphore, #tpu.memory_space<semaphore_mem>>) src(%dma_wait3A_224 : memref<2000000x64xf32, #tpu.memory_space<hbm>>) dst(%dma_wait3A_218 : memref<160x64xf32, #tpu.memory_space<vmem>>)
        %mul3A_225 = arith.constant 160 : i32
        %mul3A_226 = arith.muli %sub3A_94, %mul3A_225 : i32
        %add3A_227 = arith.addi %mul3A_2, %mul3A_226 : i32
        %dma_start3A = arith.constant 2 : i32
        %dma_start3A_228 = arith.constant 0 : i32
        %dma_start3A_229 = arith.constant 0 : i32
        %dma_start3A_230 = tpu.memref_slice %arg8[%dma_start3A, %dma_start3A_228, %dma_start3A_229] : memref<4x160x64xf32, #tpu.memory_space<vmem>> -> memref<1x160x64xf32, #tpu.memory_space<vmem>>
        %dma_start3A_231 = tpu.memref_squeeze %dma_start3A_230 : memref<1x160x64xf32, #tpu.memory_space<vmem>> -> memref<160x64xf32, #tpu.memory_space<vmem>>
        %dma_start3A_232 = arith.constant 0 : i32
        %dma_start3A_233 = tpu.memref_slice %arg5[%add3A_227, %dma_start3A_232] : memref<819200x128xf32, #tpu.memory_space<hbm>> -> memref<160x64xf32, #tpu.memory_space<hbm>>
        %dma_start3A_234 = arith.constant 0 : i32
        %dma_start3A_235 = tpu.memref_slice %arg5[%add3A_227, %dma_start3A_234] : memref<819200x128xf32, #tpu.memory_space<hbm>> -> memref<160x64xf32, #tpu.memory_space<hbm>>
        %dma_start3A_236 = arith.constant 0 : i32
        %dma_start3A_237 = arith.constant 0 : i32
        %dma_start3A_238 = tpu.memref_slice %arg8[%dma_start3A, %dma_start3A_236, %dma_start3A_237] : memref<4x160x64xf32, #tpu.memory_space<vmem>> -> memref<1x160x64xf32, #tpu.memory_space<vmem>>
        %dma_start3A_239 = tpu.memref_squeeze %dma_start3A_238 : memref<1x160x64xf32, #tpu.memory_space<vmem>> -> memref<160x64xf32, #tpu.memory_space<vmem>>
        tpu.enqueue_dma source(%dma_start3A_239 : memref<160x64xf32, #tpu.memory_space<vmem>>) target(%dma_start3A_235 : memref<160x64xf32, #tpu.memory_space<hbm>>) target_semaphore(%arg19 : memref<!tpu.dma_semaphore, #tpu.memory_space<semaphore_mem>>)
      } else {
      }
      %mul3A_103 = arith.constant 4 : i32
      %mul3A_104 = arith.muli %scan3A_69, %mul3A_103 : i32
      %add3A_105 = arith.constant 1 : i32
      %add3A_106 = arith.addi %mul3A_104, %add3A_105 : i32
      %ge3A_107 = arith.constant 4 : i32
      %ge3A_108 = arith.cmpi sge, %add3A_106, %ge3A_107 : i32
      %lt3A_109 = arith.constant 160 : i32
      %lt3A_110 = arith.cmpi slt, %add3A_106, %lt3A_109 : i32
      %and3A_111 = arith.andi %ge3A_108, %lt3A_110 : i1
      %convert_element_type3A_112 = arith.extui %and3A_111 : i1 to i32
      %cond3A_113 = arith.constant 0 : i32
      %cond3A_114 = arith.cmpi ne, %convert_element_type3A_112, %cond3A_113 : i32
      scf.if %cond3A_114 {
        %dma_wait3A_214 = arith.constant 1 : i32
        %dma_wait3A_215 = arith.constant 0 : i32
        %dma_wait3A_216 = arith.constant 0 : i32
        %dma_wait3A_217 = tpu.memref_slice %arg8[%dma_wait3A_214, %dma_wait3A_215, %dma_wait3A_216] : memref<4x160x64xf32, #tpu.memory_space<vmem>> -> memref<1x160x64xf32, #tpu.memory_space<vmem>>
        %dma_wait3A_218 = tpu.memref_squeeze %dma_wait3A_217 : memref<1x160x64xf32, #tpu.memory_space<vmem>> -> memref<160x64xf32, #tpu.memory_space<vmem>>
        %dma_wait3A_219 = arith.constant 0 : i32
        %dma_wait3A_220 = arith.constant 0 : i32
        %dma_wait3A_221 = tpu.memref_slice %arg5[%dma_wait3A_219, %dma_wait3A_220] : memref<819200x128xf32, #tpu.memory_space<hbm>> -> memref<160x64xf32, #tpu.memory_space<hbm>>
        %dma_wait3A_222 = arith.constant 0 : i32
        %dma_wait3A_223 = arith.constant 0 : i32
        %dma_wait3A_224 = tpu.memref_slice %arg5[%dma_wait3A_222, %dma_wait3A_223] : memref<819200x128xf32, #tpu.memory_space<hbm>> -> memref<160x64xf32, #tpu.memory_space<hbm>>
        %dma_wait3A_225 = arith.constant 0 : i32
        %dma_wait3A_226 = arith.constant 0 : i32
        %dma_wait3A_227 = tpu.memref_slice %arg8[%dma_wait3A_214, %dma_wait3A_225, %dma_wait3A_226] : memref<4x160x64xf32, #tpu.memory_space<vmem>> -> memref<1x160x64xf32, #tpu.memory_space<vmem>>
        %dma_wait3A_228 = tpu.memref_squeeze %dma_wait3A_227 : memref<1x160x64xf32, #tpu.memory_space<vmem>> -> memref<160x64xf32, #tpu.memory_space<vmem>>
        tpu.wait_dma2 semaphore(%arg18 : memref<!tpu.dma_semaphore, #tpu.memory_space<semaphore_mem>>) src(%dma_wait3A_228 : memref<160x64xf32, #tpu.memory_space<vmem>>) dst(%dma_wait3A_224 : memref<160x64xf32, #tpu.memory_space<hbm>>)
      } else {
      }
      %lt3A_115 = arith.constant 160 : i32
      %lt3A_116 = arith.cmpi slt, %add3A_106, %lt3A_115 : i32
      %convert_element_type3A_117 = arith.extui %lt3A_116 : i1 to i32
      %cond3A_118 = arith.constant 0 : i32
      %cond3A_119 = arith.cmpi ne, %convert_element_type3A_117, %cond3A_118 : i32
      scf.if %cond3A_119 {
        %mul3A_214 = arith.constant 160 : i32
        %mul3A_215 = arith.muli %add3A_106, %mul3A_214 : i32
        %rem3A = arith.constant 800 : i32
        %rem3A_216 = arith.remsi %mul3A_215, %rem3A : i32
        %dma_start3A = arith.constant 1 : i32
        %dma_start3A_217 = arith.constant 0 : i32
        %dma_start3A_218 = arith.constant 0 : i32
        %dma_start3A_219 = tpu.memref_slice %arg8[%dma_start3A, %dma_start3A_217, %dma_start3A_218] : memref<4x160x64xf32, #tpu.memory_space<vmem>> -> memref<1x160x64xf32, #tpu.memory_space<vmem>>
        %dma_start3A_220 = tpu.memref_squeeze %dma_start3A_219 : memref<1x160x64xf32, #tpu.memory_space<vmem>> -> memref<160x64xf32, #tpu.memory_space<vmem>>
        %dma_start3A_221 = arith.constant 0 : i32
        %dma_start3A_222 = tpu.memref_slice %arg7[%rem3A_216, %dma_start3A_221] : memref<800x64xf32, #tpu.memory_space<vmem_shared>> -> memref<160x64xf32, #tpu.memory_space<vmem_shared>>
        %dma_start3A_223 = arith.constant 0 : i32
        %dma_start3A_224 = arith.constant 0 : i32
        %dma_start3A_225 = tpu.memref_slice %arg8[%dma_start3A, %dma_start3A_223, %dma_start3A_224] : memref<4x160x64xf32, #tpu.memory_space<vmem>> -> memref<1x160x64xf32, #tpu.memory_space<vmem>>
        %dma_start3A_226 = tpu.memref_squeeze %dma_start3A_225 : memref<1x160x64xf32, #tpu.memory_space<vmem>> -> memref<160x64xf32, #tpu.memory_space<vmem>>
        %dma_start3A_227 = arith.constant 0 : i32
        %dma_start3A_228 = tpu.memref_slice %arg7[%rem3A_216, %dma_start3A_227] : memref<800x64xf32, #tpu.memory_space<vmem_shared>> -> memref<160x64xf32, #tpu.memory_space<vmem_shared>>
        tpu.enqueue_dma source(%dma_start3A_228 : memref<160x64xf32, #tpu.memory_space<vmem_shared>>) target(%dma_start3A_226 : memref<160x64xf32, #tpu.memory_space<vmem>>) target_semaphore(%arg10 : memref<!tpu.dma_semaphore, #tpu.memory_space<semaphore_mem>>)
      } else {
      }
      %sub3A_120 = arith.constant 1 : i32
      %sub3A_121 = arith.subi %add3A_106, %sub3A_120 : i32
      %ge3A_122 = arith.constant 0 : i32
      %ge3A_123 = arith.cmpi sge, %sub3A_121, %ge3A_122 : i32
      %lt3A_124 = arith.constant 160 : i32
      %lt3A_125 = arith.cmpi slt, %sub3A_121, %lt3A_124 : i32
      %and3A_126 = arith.andi %ge3A_123, %lt3A_125 : i1
      %convert_element_type3A_127 = arith.extui %and3A_126 : i1 to i32
      %cond3A_128 = arith.constant 0 : i32
      %cond3A_129 = arith.cmpi ne, %convert_element_type3A_127, %cond3A_128 : i32
      scf.if %cond3A_129 {
        %mul3A_214 = arith.constant 160 : i32
        %mul3A_215 = arith.muli %sub3A_121, %mul3A_214 : i32
        %rem3A = arith.constant 800 : i32
        %rem3A_216 = arith.remsi %mul3A_215, %rem3A : i32
        %dma_wait3A_217 = arith.constant 0 : i32
        %dma_wait3A_218 = arith.constant 0 : i32
        %dma_wait3A_219 = arith.constant 0 : i32
        %dma_wait3A_220 = tpu.memref_slice %arg8[%dma_wait3A_217, %dma_wait3A_218, %dma_wait3A_219] : memref<4x160x64xf32, #tpu.memory_space<vmem>> -> memref<1x160x64xf32, #tpu.memory_space<vmem>>
        %dma_wait3A_221 = tpu.memref_squeeze %dma_wait3A_220 : memref<1x160x64xf32, #tpu.memory_space<vmem>> -> memref<160x64xf32, #tpu.memory_space<vmem>>
        %dma_wait3A_222 = arith.constant 0 : i32
        %dma_wait3A_223 = tpu.memref_slice %arg7[%rem3A_216, %dma_wait3A_222] : memref<800x64xf32, #tpu.memory_space<vmem_shared>> -> memref<160x64xf32, #tpu.memory_space<vmem_shared>>
        %dma_wait3A_224 = arith.constant 0 : i32
        %dma_wait3A_225 = arith.constant 0 : i32
        %dma_wait3A_226 = tpu.memref_slice %arg8[%dma_wait3A_217, %dma_wait3A_224, %dma_wait3A_225] : memref<4x160x64xf32, #tpu.memory_space<vmem>> -> memref<1x160x64xf32, #tpu.memory_space<vmem>>
        %dma_wait3A_227 = tpu.memref_squeeze %dma_wait3A_226 : memref<1x160x64xf32, #tpu.memory_space<vmem>> -> memref<160x64xf32, #tpu.memory_space<vmem>>
        %dma_wait3A_228 = arith.constant 0 : i32
        %dma_wait3A_229 = tpu.memref_slice %arg7[%rem3A_216, %dma_wait3A_228] : memref<800x64xf32, #tpu.memory_space<vmem_shared>> -> memref<160x64xf32, #tpu.memory_space<vmem_shared>>
        tpu.wait_dma2 semaphore(%arg9 : memref<!tpu.dma_semaphore, #tpu.memory_space<semaphore_mem>>) src(%dma_wait3A_229 : memref<160x64xf32, #tpu.memory_space<vmem_shared>>) dst(%dma_wait3A_227 : memref<160x64xf32, #tpu.memory_space<vmem>>)
        %dma_start3A = arith.constant 0 : i32
        %dma_start3A_230 = arith.constant 0 : i32
        %dma_start3A_231 = arith.constant 0 : i32
        %dma_start3A_232 = tpu.memref_slice %arg8[%dma_start3A, %dma_start3A_230, %dma_start3A_231] : memref<4x160x64xf32, #tpu.memory_space<vmem>> -> memref<1x160x64xf32, #tpu.memory_space<vmem>>
        %dma_start3A_233 = tpu.memref_squeeze %dma_start3A_232 : memref<1x160x64xf32, #tpu.memory_space<vmem>> -> memref<160x64xf32, #tpu.memory_space<vmem>>
        %dma_start3A_234 = arith.constant 0 : i32
        %dma_start3A_235 = tpu.memref_slice %arg6[%sub3A_121, %dma_start3A_234] : memref<160x160xi32, #tpu.memory_space<vmem>> -> memref<1x160xi32, #tpu.memory_space<vmem>>
        %dma_start3A_236 = tpu.memref_squeeze %dma_start3A_235 : memref<1x160xi32, #tpu.memory_space<vmem>> -> memref<160xi32, #tpu.memory_space<vmem>>
        %dma_start3A_237 = arith.constant 0 : i32
        %dma_start3A_238 = arith.constant 0 : i32
        %dma_start3A_239 = tpu.memref_slice %arg3[%dma_start3A_237, %dma_start3A_238] : memref<2000000x64xf32, #tpu.memory_space<hbm>> -> memref<2000000x64xf32, #tpu.memory_space<hbm>>
        tpu.enqueue_indirect_dma source(%dma_start3A_239 : memref<2000000x64xf32, #tpu.memory_space<hbm>>) target(%dma_start3A_233 : memref<160x64xf32, #tpu.memory_space<vmem>>) offsets(%dma_start3A_236 : memref<160xi32, #tpu.memory_space<vmem>>) semaphore(%arg13 : memref<!tpu.dma_semaphore, #tpu.memory_space<semaphore_mem>>) {add = true}
      } else {
      }
      %sub3A_130 = arith.constant 2 : i32
      %sub3A_131 = arith.subi %add3A_106, %sub3A_130 : i32
      %ge3A_132 = arith.constant 0 : i32
      %ge3A_133 = arith.cmpi sge, %sub3A_131, %ge3A_132 : i32
      %lt3A_134 = arith.constant 160 : i32
      %lt3A_135 = arith.cmpi slt, %sub3A_131, %lt3A_134 : i32
      %and3A_136 = arith.andi %ge3A_133, %lt3A_135 : i1
      %convert_element_type3A_137 = arith.extui %and3A_136 : i1 to i32
      %cond3A_138 = arith.constant 0 : i32
      %cond3A_139 = arith.cmpi ne, %convert_element_type3A_137, %cond3A_138 : i32
      scf.if %cond3A_139 {
        %dma_wait3A_214 = arith.constant 3 : i32
        %dma_wait3A_215 = arith.constant 0 : i32
        %dma_wait3A_216 = arith.constant 0 : i32
        %dma_wait3A_217 = tpu.memref_slice %arg8[%dma_wait3A_214, %dma_wait3A_215, %dma_wait3A_216] : memref<4x160x64xf32, #tpu.memory_space<vmem>> -> memref<1x160x64xf32, #tpu.memory_space<vmem>>
        %dma_wait3A_218 = tpu.memref_squeeze %dma_wait3A_217 : memref<1x160x64xf32, #tpu.memory_space<vmem>> -> memref<160x64xf32, #tpu.memory_space<vmem>>
        %dma_wait3A_219 = arith.constant 0 : i32
        %dma_wait3A_220 = tpu.memref_slice %arg6[%sub3A_131, %dma_wait3A_219] : memref<160x160xi32, #tpu.memory_space<vmem>> -> memref<1x160xi32, #tpu.memory_space<vmem>>
        %dma_wait3A_221 = tpu.memref_squeeze %dma_wait3A_220 : memref<1x160xi32, #tpu.memory_space<vmem>> -> memref<160xi32, #tpu.memory_space<vmem>>
        %dma_wait3A_222 = arith.constant 0 : i32
        %dma_wait3A_223 = arith.constant 0 : i32
        %dma_wait3A_224 = tpu.memref_slice %arg3[%dma_wait3A_222, %dma_wait3A_223] : memref<2000000x64xf32, #tpu.memory_space<hbm>> -> memref<2000000x64xf32, #tpu.memory_space<hbm>>
        tpu.wait_indirect_dma semaphore(%arg16 : memref<!tpu.dma_semaphore, #tpu.memory_space<semaphore_mem>>) src(%dma_wait3A_224 : memref<2000000x64xf32, #tpu.memory_space<hbm>>) dst(%dma_wait3A_218 : memref<160x64xf32, #tpu.memory_space<vmem>>)
        %mul3A_225 = arith.constant 160 : i32
        %mul3A_226 = arith.muli %sub3A_131, %mul3A_225 : i32
        %add3A_227 = arith.addi %mul3A_2, %mul3A_226 : i32
        %dma_start3A = arith.constant 3 : i32
        %dma_start3A_228 = arith.constant 0 : i32
        %dma_start3A_229 = arith.constant 0 : i32
        %dma_start3A_230 = tpu.memref_slice %arg8[%dma_start3A, %dma_start3A_228, %dma_start3A_229] : memref<4x160x64xf32, #tpu.memory_space<vmem>> -> memref<1x160x64xf32, #tpu.memory_space<vmem>>
        %dma_start3A_231 = tpu.memref_squeeze %dma_start3A_230 : memref<1x160x64xf32, #tpu.memory_space<vmem>> -> memref<160x64xf32, #tpu.memory_space<vmem>>
        %dma_start3A_232 = arith.constant 0 : i32
        %dma_start3A_233 = tpu.memref_slice %arg5[%add3A_227, %dma_start3A_232] : memref<819200x128xf32, #tpu.memory_space<hbm>> -> memref<160x64xf32, #tpu.memory_space<hbm>>
        %dma_start3A_234 = arith.constant 0 : i32
        %dma_start3A_235 = tpu.memref_slice %arg5[%add3A_227, %dma_start3A_234] : memref<819200x128xf32, #tpu.memory_space<hbm>> -> memref<160x64xf32, #tpu.memory_space<hbm>>
        %dma_start3A_236 = arith.constant 0 : i32
        %dma_start3A_237 = arith.constant 0 : i32
        %dma_start3A_238 = tpu.memref_slice %arg8[%dma_start3A, %dma_start3A_236, %dma_start3A_237] : memref<4x160x64xf32, #tpu.memory_space<vmem>> -> memref<1x160x64xf32, #tpu.memory_space<vmem>>
        %dma_start3A_239 = tpu.memref_squeeze %dma_start3A_238 : memref<1x160x64xf32, #tpu.memory_space<vmem>> -> memref<160x64xf32, #tpu.memory_space<vmem>>
        tpu.enqueue_dma source(%dma_start3A_239 : memref<160x64xf32, #tpu.memory_space<vmem>>) target(%dma_start3A_235 : memref<160x64xf32, #tpu.memory_space<hbm>>) target_semaphore(%arg20 : memref<!tpu.dma_semaphore, #tpu.memory_space<semaphore_mem>>)
      } else {
      }
      %mul3A_140 = arith.constant 4 : i32
      %mul3A_141 = arith.muli %scan3A_69, %mul3A_140 : i32
      %add3A_142 = arith.constant 2 : i32
      %add3A_143 = arith.addi %mul3A_141, %add3A_142 : i32
      %ge3A_144 = arith.constant 4 : i32
      %ge3A_145 = arith.cmpi sge, %add3A_143, %ge3A_144 : i32
      %lt3A_146 = arith.constant 160 : i32
      %lt3A_147 = arith.cmpi slt, %add3A_143, %lt3A_146 : i32
      %and3A_148 = arith.andi %ge3A_145, %lt3A_147 : i1
      %convert_element_type3A_149 = arith.extui %and3A_148 : i1 to i32
      %cond3A_150 = arith.constant 0 : i32
      %cond3A_151 = arith.cmpi ne, %convert_element_type3A_149, %cond3A_150 : i32
      scf.if %cond3A_151 {
        %dma_wait3A_214 = arith.constant 2 : i32
        %dma_wait3A_215 = arith.constant 0 : i32
        %dma_wait3A_216 = arith.constant 0 : i32
        %dma_wait3A_217 = tpu.memref_slice %arg8[%dma_wait3A_214, %dma_wait3A_215, %dma_wait3A_216] : memref<4x160x64xf32, #tpu.memory_space<vmem>> -> memref<1x160x64xf32, #tpu.memory_space<vmem>>
        %dma_wait3A_218 = tpu.memref_squeeze %dma_wait3A_217 : memref<1x160x64xf32, #tpu.memory_space<vmem>> -> memref<160x64xf32, #tpu.memory_space<vmem>>
        %dma_wait3A_219 = arith.constant 0 : i32
        %dma_wait3A_220 = arith.constant 0 : i32
        %dma_wait3A_221 = tpu.memref_slice %arg5[%dma_wait3A_219, %dma_wait3A_220] : memref<819200x128xf32, #tpu.memory_space<hbm>> -> memref<160x64xf32, #tpu.memory_space<hbm>>
        %dma_wait3A_222 = arith.constant 0 : i32
        %dma_wait3A_223 = arith.constant 0 : i32
        %dma_wait3A_224 = tpu.memref_slice %arg5[%dma_wait3A_222, %dma_wait3A_223] : memref<819200x128xf32, #tpu.memory_space<hbm>> -> memref<160x64xf32, #tpu.memory_space<hbm>>
        %dma_wait3A_225 = arith.constant 0 : i32
        %dma_wait3A_226 = arith.constant 0 : i32
        %dma_wait3A_227 = tpu.memref_slice %arg8[%dma_wait3A_214, %dma_wait3A_225, %dma_wait3A_226] : memref<4x160x64xf32, #tpu.memory_space<vmem>> -> memref<1x160x64xf32, #tpu.memory_space<vmem>>
        %dma_wait3A_228 = tpu.memref_squeeze %dma_wait3A_227 : memref<1x160x64xf32, #tpu.memory_space<vmem>> -> memref<160x64xf32, #tpu.memory_space<vmem>>
        tpu.wait_dma2 semaphore(%arg19 : memref<!tpu.dma_semaphore, #tpu.memory_space<semaphore_mem>>) src(%dma_wait3A_228 : memref<160x64xf32, #tpu.memory_space<vmem>>) dst(%dma_wait3A_224 : memref<160x64xf32, #tpu.memory_space<hbm>>)
      } else {
      }
      %lt3A_152 = arith.constant 160 : i32
      %lt3A_153 = arith.cmpi slt, %add3A_143, %lt3A_152 : i32
      %convert_element_type3A_154 = arith.extui %lt3A_153 : i1 to i32
      %cond3A_155 = arith.constant 0 : i32
      %cond3A_156 = arith.cmpi ne, %convert_element_type3A_154, %cond3A_155 : i32
      scf.if %cond3A_156 {
        %mul3A_214 = arith.constant 160 : i32
        %mul3A_215 = arith.muli %add3A_143, %mul3A_214 : i32
        %rem3A = arith.constant 800 : i32
        %rem3A_216 = arith.remsi %mul3A_215, %rem3A : i32
        %dma_start3A = arith.constant 2 : i32
        %dma_start3A_217 = arith.constant 0 : i32
        %dma_start3A_218 = arith.constant 0 : i32
        %dma_start3A_219 = tpu.memref_slice %arg8[%dma_start3A, %dma_start3A_217, %dma_start3A_218] : memref<4x160x64xf32, #tpu.memory_space<vmem>> -> memref<1x160x64xf32, #tpu.memory_space<vmem>>
        %dma_start3A_220 = tpu.memref_squeeze %dma_start3A_219 : memref<1x160x64xf32, #tpu.memory_space<vmem>> -> memref<160x64xf32, #tpu.memory_space<vmem>>
        %dma_start3A_221 = arith.constant 0 : i32
        %dma_start3A_222 = tpu.memref_slice %arg7[%rem3A_216, %dma_start3A_221] : memref<800x64xf32, #tpu.memory_space<vmem_shared>> -> memref<160x64xf32, #tpu.memory_space<vmem_shared>>
        %dma_start3A_223 = arith.constant 0 : i32
        %dma_start3A_224 = arith.constant 0 : i32
        %dma_start3A_225 = tpu.memref_slice %arg8[%dma_start3A, %dma_start3A_223, %dma_start3A_224] : memref<4x160x64xf32, #tpu.memory_space<vmem>> -> memref<1x160x64xf32, #tpu.memory_space<vmem>>
        %dma_start3A_226 = tpu.memref_squeeze %dma_start3A_225 : memref<1x160x64xf32, #tpu.memory_space<vmem>> -> memref<160x64xf32, #tpu.memory_space<vmem>>
        %dma_start3A_227 = arith.constant 0 : i32
        %dma_start3A_228 = tpu.memref_slice %arg7[%rem3A_216, %dma_start3A_227] : memref<800x64xf32, #tpu.memory_space<vmem_shared>> -> memref<160x64xf32, #tpu.memory_space<vmem_shared>>
        tpu.enqueue_dma source(%dma_start3A_228 : memref<160x64xf32, #tpu.memory_space<vmem_shared>>) target(%dma_start3A_226 : memref<160x64xf32, #tpu.memory_space<vmem>>) target_semaphore(%arg11 : memref<!tpu.dma_semaphore, #tpu.memory_space<semaphore_mem>>)
      } else {
      }
      %sub3A_157 = arith.constant 1 : i32
      %sub3A_158 = arith.subi %add3A_143, %sub3A_157 : i32
      %ge3A_159 = arith.constant 0 : i32
      %ge3A_160 = arith.cmpi sge, %sub3A_158, %ge3A_159 : i32
      %lt3A_161 = arith.constant 160 : i32
      %lt3A_162 = arith.cmpi slt, %sub3A_158, %lt3A_161 : i32
      %and3A_163 = arith.andi %ge3A_160, %lt3A_162 : i1
      %convert_element_type3A_164 = arith.extui %and3A_163 : i1 to i32
      %cond3A_165 = arith.constant 0 : i32
      %cond3A_166 = arith.cmpi ne, %convert_element_type3A_164, %cond3A_165 : i32
      scf.if %cond3A_166 {
        %mul3A_214 = arith.constant 160 : i32
        %mul3A_215 = arith.muli %sub3A_158, %mul3A_214 : i32
        %rem3A = arith.constant 800 : i32
        %rem3A_216 = arith.remsi %mul3A_215, %rem3A : i32
        %dma_wait3A_217 = arith.constant 1 : i32
        %dma_wait3A_218 = arith.constant 0 : i32
        %dma_wait3A_219 = arith.constant 0 : i32
        %dma_wait3A_220 = tpu.memref_slice %arg8[%dma_wait3A_217, %dma_wait3A_218, %dma_wait3A_219] : memref<4x160x64xf32, #tpu.memory_space<vmem>> -> memref<1x160x64xf32, #tpu.memory_space<vmem>>
        %dma_wait3A_221 = tpu.memref_squeeze %dma_wait3A_220 : memref<1x160x64xf32, #tpu.memory_space<vmem>> -> memref<160x64xf32, #tpu.memory_space<vmem>>
        %dma_wait3A_222 = arith.constant 0 : i32
        %dma_wait3A_223 = tpu.memref_slice %arg7[%rem3A_216, %dma_wait3A_222] : memref<800x64xf32, #tpu.memory_space<vmem_shared>> -> memref<160x64xf32, #tpu.memory_space<vmem_shared>>
        %dma_wait3A_224 = arith.constant 0 : i32
        %dma_wait3A_225 = arith.constant 0 : i32
        %dma_wait3A_226 = tpu.memref_slice %arg8[%dma_wait3A_217, %dma_wait3A_224, %dma_wait3A_225] : memref<4x160x64xf32, #tpu.memory_space<vmem>> -> memref<1x160x64xf32, #tpu.memory_space<vmem>>
        %dma_wait3A_227 = tpu.memref_squeeze %dma_wait3A_226 : memref<1x160x64xf32, #tpu.memory_space<vmem>> -> memref<160x64xf32, #tpu.memory_space<vmem>>
        %dma_wait3A_228 = arith.constant 0 : i32
        %dma_wait3A_229 = tpu.memref_slice %arg7[%rem3A_216, %dma_wait3A_228] : memref<800x64xf32, #tpu.memory_space<vmem_shared>> -> memref<160x64xf32, #tpu.memory_space<vmem_shared>>
        tpu.wait_dma2 semaphore(%arg10 : memref<!tpu.dma_semaphore, #tpu.memory_space<semaphore_mem>>) src(%dma_wait3A_229 : memref<160x64xf32, #tpu.memory_space<vmem_shared>>) dst(%dma_wait3A_227 : memref<160x64xf32, #tpu.memory_space<vmem>>)
        %dma_start3A = arith.constant 1 : i32
        %dma_start3A_230 = arith.constant 0 : i32
        %dma_start3A_231 = arith.constant 0 : i32
        %dma_start3A_232 = tpu.memref_slice %arg8[%dma_start3A, %dma_start3A_230, %dma_start3A_231] : memref<4x160x64xf32, #tpu.memory_space<vmem>> -> memref<1x160x64xf32, #tpu.memory_space<vmem>>
        %dma_start3A_233 = tpu.memref_squeeze %dma_start3A_232 : memref<1x160x64xf32, #tpu.memory_space<vmem>> -> memref<160x64xf32, #tpu.memory_space<vmem>>
        %dma_start3A_234 = arith.constant 0 : i32
        %dma_start3A_235 = tpu.memref_slice %arg6[%sub3A_158, %dma_start3A_234] : memref<160x160xi32, #tpu.memory_space<vmem>> -> memref<1x160xi32, #tpu.memory_space<vmem>>
        %dma_start3A_236 = tpu.memref_squeeze %dma_start3A_235 : memref<1x160xi32, #tpu.memory_space<vmem>> -> memref<160xi32, #tpu.memory_space<vmem>>
        %dma_start3A_237 = arith.constant 0 : i32
        %dma_start3A_238 = arith.constant 0 : i32
        %dma_start3A_239 = tpu.memref_slice %arg3[%dma_start3A_237, %dma_start3A_238] : memref<2000000x64xf32, #tpu.memory_space<hbm>> -> memref<2000000x64xf32, #tpu.memory_space<hbm>>
        tpu.enqueue_indirect_dma source(%dma_start3A_239 : memref<2000000x64xf32, #tpu.memory_space<hbm>>) target(%dma_start3A_233 : memref<160x64xf32, #tpu.memory_space<vmem>>) offsets(%dma_start3A_236 : memref<160xi32, #tpu.memory_space<vmem>>) semaphore(%arg14 : memref<!tpu.dma_semaphore, #tpu.memory_space<semaphore_mem>>) {add = true}
      } else {
      }
      %sub3A_167 = arith.constant 2 : i32
      %sub3A_168 = arith.subi %add3A_143, %sub3A_167 : i32
      %ge3A_169 = arith.constant 0 : i32
      %ge3A_170 = arith.cmpi sge, %sub3A_168, %ge3A_169 : i32
      %lt3A_171 = arith.constant 160 : i32
      %lt3A_172 = arith.cmpi slt, %sub3A_168, %lt3A_171 : i32
      %and3A_173 = arith.andi %ge3A_170, %lt3A_172 : i1
      %convert_element_type3A_174 = arith.extui %and3A_173 : i1 to i32
      %cond3A_175 = arith.constant 0 : i32
      %cond3A_176 = arith.cmpi ne, %convert_element_type3A_174, %cond3A_175 : i32
      scf.if %cond3A_176 {
        %dma_wait3A_214 = arith.constant 0 : i32
        %dma_wait3A_215 = arith.constant 0 : i32
        %dma_wait3A_216 = arith.constant 0 : i32
        %dma_wait3A_217 = tpu.memref_slice %arg8[%dma_wait3A_214, %dma_wait3A_215, %dma_wait3A_216] : memref<4x160x64xf32, #tpu.memory_space<vmem>> -> memref<1x160x64xf32, #tpu.memory_space<vmem>>
        %dma_wait3A_218 = tpu.memref_squeeze %dma_wait3A_217 : memref<1x160x64xf32, #tpu.memory_space<vmem>> -> memref<160x64xf32, #tpu.memory_space<vmem>>
        %dma_wait3A_219 = arith.constant 0 : i32
        %dma_wait3A_220 = tpu.memref_slice %arg6[%sub3A_168, %dma_wait3A_219] : memref<160x160xi32, #tpu.memory_space<vmem>> -> memref<1x160xi32, #tpu.memory_space<vmem>>
        %dma_wait3A_221 = tpu.memref_squeeze %dma_wait3A_220 : memref<1x160xi32, #tpu.memory_space<vmem>> -> memref<160xi32, #tpu.memory_space<vmem>>
        %dma_wait3A_222 = arith.constant 0 : i32
        %dma_wait3A_223 = arith.constant 0 : i32
        %dma_wait3A_224 = tpu.memref_slice %arg3[%dma_wait3A_222, %dma_wait3A_223] : memref<2000000x64xf32, #tpu.memory_space<hbm>> -> memref<2000000x64xf32, #tpu.memory_space<hbm>>
        tpu.wait_indirect_dma semaphore(%arg13 : memref<!tpu.dma_semaphore, #tpu.memory_space<semaphore_mem>>) src(%dma_wait3A_224 : memref<2000000x64xf32, #tpu.memory_space<hbm>>) dst(%dma_wait3A_218 : memref<160x64xf32, #tpu.memory_space<vmem>>)
        %mul3A_225 = arith.constant 160 : i32
        %mul3A_226 = arith.muli %sub3A_168, %mul3A_225 : i32
        %add3A_227 = arith.addi %mul3A_2, %mul3A_226 : i32
        %dma_start3A = arith.constant 0 : i32
        %dma_start3A_228 = arith.constant 0 : i32
        %dma_start3A_229 = arith.constant 0 : i32
        %dma_start3A_230 = tpu.memref_slice %arg8[%dma_start3A, %dma_start3A_228, %dma_start3A_229] : memref<4x160x64xf32, #tpu.memory_space<vmem>> -> memref<1x160x64xf32, #tpu.memory_space<vmem>>
        %dma_start3A_231 = tpu.memref_squeeze %dma_start3A_230 : memref<1x160x64xf32, #tpu.memory_space<vmem>> -> memref<160x64xf32, #tpu.memory_space<vmem>>
        %dma_start3A_232 = arith.constant 0 : i32
        %dma_start3A_233 = tpu.memref_slice %arg5[%add3A_227, %dma_start3A_232] : memref<819200x128xf32, #tpu.memory_space<hbm>> -> memref<160x64xf32, #tpu.memory_space<hbm>>
        %dma_start3A_234 = arith.constant 0 : i32
        %dma_start3A_235 = tpu.memref_slice %arg5[%add3A_227, %dma_start3A_234] : memref<819200x128xf32, #tpu.memory_space<hbm>> -> memref<160x64xf32, #tpu.memory_space<hbm>>
        %dma_start3A_236 = arith.constant 0 : i32
        %dma_start3A_237 = arith.constant 0 : i32
        %dma_start3A_238 = tpu.memref_slice %arg8[%dma_start3A, %dma_start3A_236, %dma_start3A_237] : memref<4x160x64xf32, #tpu.memory_space<vmem>> -> memref<1x160x64xf32, #tpu.memory_space<vmem>>
        %dma_start3A_239 = tpu.memref_squeeze %dma_start3A_238 : memref<1x160x64xf32, #tpu.memory_space<vmem>> -> memref<160x64xf32, #tpu.memory_space<vmem>>
        tpu.enqueue_dma source(%dma_start3A_239 : memref<160x64xf32, #tpu.memory_space<vmem>>) target(%dma_start3A_235 : memref<160x64xf32, #tpu.memory_space<hbm>>) target_semaphore(%arg17 : memref<!tpu.dma_semaphore, #tpu.memory_space<semaphore_mem>>)
      } else {
      }
      %mul3A_177 = arith.constant 4 : i32
      %mul3A_178 = arith.muli %scan3A_69, %mul3A_177 : i32
      %add3A_179 = arith.constant 3 : i32
      %add3A_180 = arith.addi %mul3A_178, %add3A_179 : i32
      %ge3A_181 = arith.constant 4 : i32
      %ge3A_182 = arith.cmpi sge, %add3A_180, %ge3A_181 : i32
      %lt3A_183 = arith.constant 160 : i32
      %lt3A_184 = arith.cmpi slt, %add3A_180, %lt3A_183 : i32
      %and3A_185 = arith.andi %ge3A_182, %lt3A_184 : i1
      %convert_element_type3A_186 = arith.extui %and3A_185 : i1 to i32
      %cond3A_187 = arith.constant 0 : i32
      %cond3A_188 = arith.cmpi ne, %convert_element_type3A_186, %cond3A_187 : i32
      scf.if %cond3A_188 {
        %dma_wait3A_214 = arith.constant 3 : i32
        %dma_wait3A_215 = arith.constant 0 : i32
        %dma_wait3A_216 = arith.constant 0 : i32
        %dma_wait3A_217 = tpu.memref_slice %arg8[%dma_wait3A_214, %dma_wait3A_215, %dma_wait3A_216] : memref<4x160x64xf32, #tpu.memory_space<vmem>> -> memref<1x160x64xf32, #tpu.memory_space<vmem>>
        %dma_wait3A_218 = tpu.memref_squeeze %dma_wait3A_217 : memref<1x160x64xf32, #tpu.memory_space<vmem>> -> memref<160x64xf32, #tpu.memory_space<vmem>>
        %dma_wait3A_219 = arith.constant 0 : i32
        %dma_wait3A_220 = arith.constant 0 : i32
        %dma_wait3A_221 = tpu.memref_slice %arg5[%dma_wait3A_219, %dma_wait3A_220] : memref<819200x128xf32, #tpu.memory_space<hbm>> -> memref<160x64xf32, #tpu.memory_space<hbm>>
        %dma_wait3A_222 = arith.constant 0 : i32
        %dma_wait3A_223 = arith.constant 0 : i32
        %dma_wait3A_224 = tpu.memref_slice %arg5[%dma_wait3A_222, %dma_wait3A_223] : memref<819200x128xf32, #tpu.memory_space<hbm>> -> memref<160x64xf32, #tpu.memory_space<hbm>>
        %dma_wait3A_225 = arith.constant 0 : i32
        %dma_wait3A_226 = arith.constant 0 : i32
        %dma_wait3A_227 = tpu.memref_slice %arg8[%dma_wait3A_214, %dma_wait3A_225, %dma_wait3A_226] : memref<4x160x64xf32, #tpu.memory_space<vmem>> -> memref<1x160x64xf32, #tpu.memory_space<vmem>>
        %dma_wait3A_228 = tpu.memref_squeeze %dma_wait3A_227 : memref<1x160x64xf32, #tpu.memory_space<vmem>> -> memref<160x64xf32, #tpu.memory_space<vmem>>
        tpu.wait_dma2 semaphore(%arg20 : memref<!tpu.dma_semaphore, #tpu.memory_space<semaphore_mem>>) src(%dma_wait3A_228 : memref<160x64xf32, #tpu.memory_space<vmem>>) dst(%dma_wait3A_224 : memref<160x64xf32, #tpu.memory_space<hbm>>)
      } else {
      }
      %lt3A_189 = arith.constant 160 : i32
      %lt3A_190 = arith.cmpi slt, %add3A_180, %lt3A_189 : i32
      %convert_element_type3A_191 = arith.extui %lt3A_190 : i1 to i32
      %cond3A_192 = arith.constant 0 : i32
      %cond3A_193 = arith.cmpi ne, %convert_element_type3A_191, %cond3A_192 : i32
      scf.if %cond3A_193 {
        %mul3A_214 = arith.constant 160 : i32
        %mul3A_215 = arith.muli %add3A_180, %mul3A_214 : i32
        %rem3A = arith.constant 800 : i32
        %rem3A_216 = arith.remsi %mul3A_215, %rem3A : i32
        %dma_start3A = arith.constant 3 : i32
        %dma_start3A_217 = arith.constant 0 : i32
        %dma_start3A_218 = arith.constant 0 : i32
        %dma_start3A_219 = tpu.memref_slice %arg8[%dma_start3A, %dma_start3A_217, %dma_start3A_218] : memref<4x160x64xf32, #tpu.memory_space<vmem>> -> memref<1x160x64xf32, #tpu.memory_space<vmem>>
        %dma_start3A_220 = tpu.memref_squeeze %dma_start3A_219 : memref<1x160x64xf32, #tpu.memory_space<vmem>> -> memref<160x64xf32, #tpu.memory_space<vmem>>
        %dma_start3A_221 = arith.constant 0 : i32
        %dma_start3A_222 = tpu.memref_slice %arg7[%rem3A_216, %dma_start3A_221] : memref<800x64xf32, #tpu.memory_space<vmem_shared>> -> memref<160x64xf32, #tpu.memory_space<vmem_shared>>
        %dma_start3A_223 = arith.constant 0 : i32
        %dma_start3A_224 = arith.constant 0 : i32
        %dma_start3A_225 = tpu.memref_slice %arg8[%dma_start3A, %dma_start3A_223, %dma_start3A_224] : memref<4x160x64xf32, #tpu.memory_space<vmem>> -> memref<1x160x64xf32, #tpu.memory_space<vmem>>
        %dma_start3A_226 = tpu.memref_squeeze %dma_start3A_225 : memref<1x160x64xf32, #tpu.memory_space<vmem>> -> memref<160x64xf32, #tpu.memory_space<vmem>>
        %dma_start3A_227 = arith.constant 0 : i32
        %dma_start3A_228 = tpu.memref_slice %arg7[%rem3A_216, %dma_start3A_227] : memref<800x64xf32, #tpu.memory_space<vmem_shared>> -> memref<160x64xf32, #tpu.memory_space<vmem_shared>>
        tpu.enqueue_dma source(%dma_start3A_228 : memref<160x64xf32, #tpu.memory_space<vmem_shared>>) target(%dma_start3A_226 : memref<160x64xf32, #tpu.memory_space<vmem>>) target_semaphore(%arg12 : memref<!tpu.dma_semaphore, #tpu.memory_space<semaphore_mem>>)
      } else {
      }
      %sub3A_194 = arith.constant 1 : i32
      %sub3A_195 = arith.subi %add3A_180, %sub3A_194 : i32
      %ge3A_196 = arith.constant 0 : i32
      %ge3A_197 = arith.cmpi sge, %sub3A_195, %ge3A_196 : i32
      %lt3A_198 = arith.constant 160 : i32
      %lt3A_199 = arith.cmpi slt, %sub3A_195, %lt3A_198 : i32
      %and3A_200 = arith.andi %ge3A_197, %lt3A_199 : i1
      %convert_element_type3A_201 = arith.extui %and3A_200 : i1 to i32
      %cond3A_202 = arith.constant 0 : i32
      %cond3A_203 = arith.cmpi ne, %convert_element_type3A_201, %cond3A_202 : i32
      scf.if %cond3A_203 {
        %mul3A_214 = arith.constant 160 : i32
        %mul3A_215 = arith.muli %sub3A_195, %mul3A_214 : i32
        %rem3A = arith.constant 800 : i32
        %rem3A_216 = arith.remsi %mul3A_215, %rem3A : i32
        %dma_wait3A_217 = arith.constant 2 : i32
        %dma_wait3A_218 = arith.constant 0 : i32
        %dma_wait3A_219 = arith.constant 0 : i32
        %dma_wait3A_220 = tpu.memref_slice %arg8[%dma_wait3A_217, %dma_wait3A_218, %dma_wait3A_219] : memref<4x160x64xf32, #tpu.memory_space<vmem>> -> memref<1x160x64xf32, #tpu.memory_space<vmem>>
        %dma_wait3A_221 = tpu.memref_squeeze %dma_wait3A_220 : memref<1x160x64xf32, #tpu.memory_space<vmem>> -> memref<160x64xf32, #tpu.memory_space<vmem>>
        %dma_wait3A_222 = arith.constant 0 : i32
        %dma_wait3A_223 = tpu.memref_slice %arg7[%rem3A_216, %dma_wait3A_222] : memref<800x64xf32, #tpu.memory_space<vmem_shared>> -> memref<160x64xf32, #tpu.memory_space<vmem_shared>>
        %dma_wait3A_224 = arith.constant 0 : i32
        %dma_wait3A_225 = arith.constant 0 : i32
        %dma_wait3A_226 = tpu.memref_slice %arg8[%dma_wait3A_217, %dma_wait3A_224, %dma_wait3A_225] : memref<4x160x64xf32, #tpu.memory_space<vmem>> -> memref<1x160x64xf32, #tpu.memory_space<vmem>>
        %dma_wait3A_227 = tpu.memref_squeeze %dma_wait3A_226 : memref<1x160x64xf32, #tpu.memory_space<vmem>> -> memref<160x64xf32, #tpu.memory_space<vmem>>
        %dma_wait3A_228 = arith.constant 0 : i32
        %dma_wait3A_229 = tpu.memref_slice %arg7[%rem3A_216, %dma_wait3A_228] : memref<800x64xf32, #tpu.memory_space<vmem_shared>> -> memref<160x64xf32, #tpu.memory_space<vmem_shared>>
        tpu.wait_dma2 semaphore(%arg11 : memref<!tpu.dma_semaphore, #tpu.memory_space<semaphore_mem>>) src(%dma_wait3A_229 : memref<160x64xf32, #tpu.memory_space<vmem_shared>>) dst(%dma_wait3A_227 : memref<160x64xf32, #tpu.memory_space<vmem>>)
        %dma_start3A = arith.constant 2 : i32
        %dma_start3A_230 = arith.constant 0 : i32
        %dma_start3A_231 = arith.constant 0 : i32
        %dma_start3A_232 = tpu.memref_slice %arg8[%dma_start3A, %dma_start3A_230, %dma_start3A_231] : memref<4x160x64xf32, #tpu.memory_space<vmem>> -> memref<1x160x64xf32, #tpu.memory_space<vmem>>
        %dma_start3A_233 = tpu.memref_squeeze %dma_start3A_232 : memref<1x160x64xf32, #tpu.memory_space<vmem>> -> memref<160x64xf32, #tpu.memory_space<vmem>>
        %dma_start3A_234 = arith.constant 0 : i32
        %dma_start3A_235 = tpu.memref_slice %arg6[%sub3A_195, %dma_start3A_234] : memref<160x160xi32, #tpu.memory_space<vmem>> -> memref<1x160xi32, #tpu.memory_space<vmem>>
        %dma_start3A_236 = tpu.memref_squeeze %dma_start3A_235 : memref<1x160xi32, #tpu.memory_space<vmem>> -> memref<160xi32, #tpu.memory_space<vmem>>
        %dma_start3A_237 = arith.constant 0 : i32
        %dma_start3A_238 = arith.constant 0 : i32
        %dma_start3A_239 = tpu.memref_slice %arg3[%dma_start3A_237, %dma_start3A_238] : memref<2000000x64xf32, #tpu.memory_space<hbm>> -> memref<2000000x64xf32, #tpu.memory_space<hbm>>
        tpu.enqueue_indirect_dma source(%dma_start3A_239 : memref<2000000x64xf32, #tpu.memory_space<hbm>>) target(%dma_start3A_233 : memref<160x64xf32, #tpu.memory_space<vmem>>) offsets(%dma_start3A_236 : memref<160xi32, #tpu.memory_space<vmem>>) semaphore(%arg15 : memref<!tpu.dma_semaphore, #tpu.memory_space<semaphore_mem>>) {add = true}
      } else {
      }
      %sub3A_204 = arith.constant 2 : i32
      %sub3A_205 = arith.subi %add3A_180, %sub3A_204 : i32
      %ge3A_206 = arith.constant 0 : i32
      %ge3A_207 = arith.cmpi sge, %sub3A_205, %ge3A_206 : i32
      %lt3A_208 = arith.constant 160 : i32
      %lt3A_209 = arith.cmpi slt, %sub3A_205, %lt3A_208 : i32
      %and3A_210 = arith.andi %ge3A_207, %lt3A_209 : i1
      %convert_element_type3A_211 = arith.extui %and3A_210 : i1 to i32
      %cond3A_212 = arith.constant 0 : i32
      %cond3A_213 = arith.cmpi ne, %convert_element_type3A_211, %cond3A_212 : i32
      scf.if %cond3A_213 {
        %dma_wait3A_214 = arith.constant 1 : i32
        %dma_wait3A_215 = arith.constant 0 : i32
        %dma_wait3A_216 = arith.constant 0 : i32
        %dma_wait3A_217 = tpu.memref_slice %arg8[%dma_wait3A_214, %dma_wait3A_215, %dma_wait3A_216] : memref<4x160x64xf32, #tpu.memory_space<vmem>> -> memref<1x160x64xf32, #tpu.memory_space<vmem>>
        %dma_wait3A_218 = tpu.memref_squeeze %dma_wait3A_217 : memref<1x160x64xf32, #tpu.memory_space<vmem>> -> memref<160x64xf32, #tpu.memory_space<vmem>>
        %dma_wait3A_219 = arith.constant 0 : i32
        %dma_wait3A_220 = tpu.memref_slice %arg6[%sub3A_205, %dma_wait3A_219] : memref<160x160xi32, #tpu.memory_space<vmem>> -> memref<1x160xi32, #tpu.memory_space<vmem>>
        %dma_wait3A_221 = tpu.memref_squeeze %dma_wait3A_220 : memref<1x160xi32, #tpu.memory_space<vmem>> -> memref<160xi32, #tpu.memory_space<vmem>>
        %dma_wait3A_222 = arith.constant 0 : i32
        %dma_wait3A_223 = arith.constant 0 : i32
        %dma_wait3A_224 = tpu.memref_slice %arg3[%dma_wait3A_222, %dma_wait3A_223] : memref<2000000x64xf32, #tpu.memory_space<hbm>> -> memref<2000000x64xf32, #tpu.memory_space<hbm>>
        tpu.wait_indirect_dma semaphore(%arg14 : memref<!tpu.dma_semaphore, #tpu.memory_space<semaphore_mem>>) src(%dma_wait3A_224 : memref<2000000x64xf32, #tpu.memory_space<hbm>>) dst(%dma_wait3A_218 : memref<160x64xf32, #tpu.memory_space<vmem>>)
        %mul3A_225 = arith.constant 160 : i32
        %mul3A_226 = arith.muli %sub3A_205, %mul3A_225 : i32
        %add3A_227 = arith.addi %mul3A_2, %mul3A_226 : i32
        %dma_start3A = arith.constant 1 : i32
        %dma_start3A_228 = arith.constant 0 : i32
        %dma_start3A_229 = arith.constant 0 : i32
        %dma_start3A_230 = tpu.memref_slice %arg8[%dma_start3A, %dma_start3A_228, %dma_start3A_229] : memref<4x160x64xf32, #tpu.memory_space<vmem>> -> memref<1x160x64xf32, #tpu.memory_space<vmem>>
        %dma_start3A_231 = tpu.memref_squeeze %dma_start3A_230 : memref<1x160x64xf32, #tpu.memory_space<vmem>> -> memref<160x64xf32, #tpu.memory_space<vmem>>
        %dma_start3A_232 = arith.constant 0 : i32
        %dma_start3A_233 = tpu.memref_slice %arg5[%add3A_227, %dma_start3A_232] : memref<819200x128xf32, #tpu.memory_space<hbm>> -> memref<160x64xf32, #tpu.memory_space<hbm>>
        %dma_start3A_234 = arith.constant 0 : i32
        %dma_start3A_235 = tpu.memref_slice %arg5[%add3A_227, %dma_start3A_234] : memref<819200x128xf32, #tpu.memory_space<hbm>> -> memref<160x64xf32, #tpu.memory_space<hbm>>
        %dma_start3A_236 = arith.constant 0 : i32
        %dma_start3A_237 = arith.constant 0 : i32
        %dma_start3A_238 = tpu.memref_slice %arg8[%dma_start3A, %dma_start3A_236, %dma_start3A_237] : memref<4x160x64xf32, #tpu.memory_space<vmem>> -> memref<1x160x64xf32, #tpu.memory_space<vmem>>
        %dma_start3A_239 = tpu.memref_squeeze %dma_start3A_238 : memref<1x160x64xf32, #tpu.memory_space<vmem>> -> memref<160x64xf32, #tpu.memory_space<vmem>>
        tpu.enqueue_dma source(%dma_start3A_239 : memref<160x64xf32, #tpu.memory_space<vmem>>) target(%dma_start3A_235 : memref<160x64xf32, #tpu.memory_space<hbm>>) target_semaphore(%arg18 : memref<!tpu.dma_semaphore, #tpu.memory_space<semaphore_mem>>)
      } else {
      }
    }
    %scan3A_9 = arith.constant 41 : i32
    %dma_wait3A = arith.constant 0 : i32
    %dma_wait3A_10 = arith.constant 0 : i32
    %dma_wait3A_11 = arith.constant 0 : i32
    %dma_wait3A_12 = tpu.memref_slice %arg8[%dma_wait3A, %dma_wait3A_10, %dma_wait3A_11] : memref<4x160x64xf32, #tpu.memory_space<vmem>> -> memref<1x160x64xf32, #tpu.memory_space<vmem>>
    %dma_wait3A_13 = tpu.memref_squeeze %dma_wait3A_12 : memref<1x160x64xf32, #tpu.memory_space<vmem>> -> memref<160x64xf32, #tpu.memory_space<vmem>>
    %dma_wait3A_14 = arith.constant 0 : i32
    %dma_wait3A_15 = arith.constant 0 : i32
    %dma_wait3A_16 = tpu.memref_slice %arg5[%dma_wait3A_14, %dma_wait3A_15] : memref<819200x128xf32, #tpu.memory_space<hbm>> -> memref<160x64xf32, #tpu.memory_space<hbm>>
    %dma_wait3A_17 = arith.constant 0 : i32
    %dma_wait3A_18 = arith.constant 0 : i32
    %dma_wait3A_19 = tpu.memref_slice %arg5[%dma_wait3A_17, %dma_wait3A_18] : memref<819200x128xf32, #tpu.memory_space<hbm>> -> memref<160x64xf32, #tpu.memory_space<hbm>>
    %dma_wait3A_20 = arith.constant 0 : i32
    %dma_wait3A_21 = arith.constant 0 : i32
    %dma_wait3A_22 = tpu.memref_slice %arg8[%dma_wait3A, %dma_wait3A_20, %dma_wait3A_21] : memref<4x160x64xf32, #tpu.memory_space<vmem>> -> memref<1x160x64xf32, #tpu.memory_space<vmem>>
    %dma_wait3A_23 = tpu.memref_squeeze %dma_wait3A_22 : memref<1x160x64xf32, #tpu.memory_space<vmem>> -> memref<160x64xf32, #tpu.memory_space<vmem>>
    tpu.wait_dma2 semaphore(%arg17 : memref<!tpu.dma_semaphore, #tpu.memory_space<semaphore_mem>>) src(%dma_wait3A_23 : memref<160x64xf32, #tpu.memory_space<vmem>>) dst(%dma_wait3A_19 : memref<160x64xf32, #tpu.memory_space<hbm>>)
    %dma_wait3A_24 = arith.constant 1 : i32
    %dma_wait3A_25 = arith.constant 0 : i32
    %dma_wait3A_26 = arith.constant 0 : i32
    %dma_wait3A_27 = tpu.memref_slice %arg8[%dma_wait3A_24, %dma_wait3A_25, %dma_wait3A_26] : memref<4x160x64xf32, #tpu.memory_space<vmem>> -> memref<1x160x64xf32, #tpu.memory_space<vmem>>
    %dma_wait3A_28 = tpu.memref_squeeze %dma_wait3A_27 : memref<1x160x64xf32, #tpu.memory_space<vmem>> -> memref<160x64xf32, #tpu.memory_space<vmem>>
    %dma_wait3A_29 = arith.constant 0 : i32
    %dma_wait3A_30 = arith.constant 0 : i32
    %dma_wait3A_31 = tpu.memref_slice %arg5[%dma_wait3A_29, %dma_wait3A_30] : memref<819200x128xf32, #tpu.memory_space<hbm>> -> memref<160x64xf32, #tpu.memory_space<hbm>>
    %dma_wait3A_32 = arith.constant 0 : i32
    %dma_wait3A_33 = arith.constant 0 : i32
    %dma_wait3A_34 = tpu.memref_slice %arg5[%dma_wait3A_32, %dma_wait3A_33] : memref<819200x128xf32, #tpu.memory_space<hbm>> -> memref<160x64xf32, #tpu.memory_space<hbm>>
    %dma_wait3A_35 = arith.constant 0 : i32
    %dma_wait3A_36 = arith.constant 0 : i32
    %dma_wait3A_37 = tpu.memref_slice %arg8[%dma_wait3A_24, %dma_wait3A_35, %dma_wait3A_36] : memref<4x160x64xf32, #tpu.memory_space<vmem>> -> memref<1x160x64xf32, #tpu.memory_space<vmem>>
    %dma_wait3A_38 = tpu.memref_squeeze %dma_wait3A_37 : memref<1x160x64xf32, #tpu.memory_space<vmem>> -> memref<160x64xf32, #tpu.memory_space<vmem>>
    tpu.wait_dma2 semaphore(%arg18 : memref<!tpu.dma_semaphore, #tpu.memory_space<semaphore_mem>>) src(%dma_wait3A_38 : memref<160x64xf32, #tpu.memory_space<vmem>>) dst(%dma_wait3A_34 : memref<160x64xf32, #tpu.memory_space<hbm>>)
    %dma_wait3A_39 = arith.constant 2 : i32
    %dma_wait3A_40 = arith.constant 0 : i32
    %dma_wait3A_41 = arith.constant 0 : i32
    %dma_wait3A_42 = tpu.memref_slice %arg8[%dma_wait3A_39, %dma_wait3A_40, %dma_wait3A_41] : memref<4x160x64xf32, #tpu.memory_space<vmem>> -> memref<1x160x64xf32, #tpu.memory_space<vmem>>
    %dma_wait3A_43 = tpu.memref_squeeze %dma_wait3A_42 : memref<1x160x64xf32, #tpu.memory_space<vmem>> -> memref<160x64xf32, #tpu.memory_space<vmem>>
    %dma_wait3A_44 = arith.constant 0 : i32
    %dma_wait3A_45 = arith.constant 0 : i32
    %dma_wait3A_46 = tpu.memref_slice %arg5[%dma_wait3A_44, %dma_wait3A_45] : memref<819200x128xf32, #tpu.memory_space<hbm>> -> memref<160x64xf32, #tpu.memory_space<hbm>>
    %dma_wait3A_47 = arith.constant 0 : i32
    %dma_wait3A_48 = arith.constant 0 : i32
    %dma_wait3A_49 = tpu.memref_slice %arg5[%dma_wait3A_47, %dma_wait3A_48] : memref<819200x128xf32, #tpu.memory_space<hbm>> -> memref<160x64xf32, #tpu.memory_space<hbm>>
    %dma_wait3A_50 = arith.constant 0 : i32
    %dma_wait3A_51 = arith.constant 0 : i32
    %dma_wait3A_52 = tpu.memref_slice %arg8[%dma_wait3A_39, %dma_wait3A_50, %dma_wait3A_51] : memref<4x160x64xf32, #tpu.memory_space<vmem>> -> memref<1x160x64xf32, #tpu.memory_space<vmem>>
    %dma_wait3A_53 = tpu.memref_squeeze %dma_wait3A_52 : memref<1x160x64xf32, #tpu.memory_space<vmem>> -> memref<160x64xf32, #tpu.memory_space<vmem>>
    tpu.wait_dma2 semaphore(%arg19 : memref<!tpu.dma_semaphore, #tpu.memory_space<semaphore_mem>>) src(%dma_wait3A_53 : memref<160x64xf32, #tpu.memory_space<vmem>>) dst(%dma_wait3A_49 : memref<160x64xf32, #tpu.memory_space<hbm>>)
    %dma_wait3A_54 = arith.constant 3 : i32
    %dma_wait3A_55 = arith.constant 0 : i32
    %dma_wait3A_56 = arith.constant 0 : i32
    %dma_wait3A_57 = tpu.memref_slice %arg8[%dma_wait3A_54, %dma_wait3A_55, %dma_wait3A_56] : memref<4x160x64xf32, #tpu.memory_space<vmem>> -> memref<1x160x64xf32, #tpu.memory_space<vmem>>
    %dma_wait3A_58 = tpu.memref_squeeze %dma_wait3A_57 : memref<1x160x64xf32, #tpu.memory_space<vmem>> -> memref<160x64xf32, #tpu.memory_space<vmem>>
    %dma_wait3A_59 = arith.constant 0 : i32
    %dma_wait3A_60 = arith.constant 0 : i32
    %dma_wait3A_61 = tpu.memref_slice %arg5[%dma_wait3A_59, %dma_wait3A_60] : memref<819200x128xf32, #tpu.memory_space<hbm>> -> memref<160x64xf32, #tpu.memory_space<hbm>>
    %dma_wait3A_62 = arith.constant 0 : i32
    %dma_wait3A_63 = arith.constant 0 : i32
    %dma_wait3A_64 = tpu.memref_slice %arg5[%dma_wait3A_62, %dma_wait3A_63] : memref<819200x128xf32, #tpu.memory_space<hbm>> -> memref<160x64xf32, #tpu.memory_space<hbm>>
    %dma_wait3A_65 = arith.constant 0 : i32
    %dma_wait3A_66 = arith.constant 0 : i32
    %dma_wait3A_67 = tpu.memref_slice %arg8[%dma_wait3A_54, %dma_wait3A_65, %dma_wait3A_66] : memref<4x160x64xf32, #tpu.memory_space<vmem>> -> memref<1x160x64xf32, #tpu.memory_space<vmem>>
    %dma_wait3A_68 = tpu.memref_squeeze %dma_wait3A_67 : memref<1x160x64xf32, #tpu.memory_space<vmem>> -> memref<160x64xf32, #tpu.memory_space<vmem>>
    tpu.wait_dma2 semaphore(%arg20 : memref<!tpu.dma_semaphore, #tpu.memory_space<semaphore_mem>>) src(%dma_wait3A_68 : memref<160x64xf32, #tpu.memory_space<vmem>>) dst(%dma_wait3A_64 : memref<160x64xf32, #tpu.memory_space<hbm>>)
    return
  }
}

module attributes {stable_mosaic.version = 14 : i64} {
  func.func @body(%arg0: i32, %arg1: memref<64x8192xf32, #tpu.memory_space<vmem>>, %arg2: memref<8192x128xf32, #tpu.memory_space<vmem>>) attributes {dimension_semantics = [#tpu.dimension_semantics<arbitrary>], iteration_bounds = array<i64: 123>, scalar_prefetch = 0 : i64, scratch_operands = 0 : i64, tpu.core_type = #tpu.core_type<tc>, window_params = [{transform_indices = @transform_0, window_bounds = array<i64: 64, 8192>}, {transform_indices = @transform_1, window_bounds = array<i64: 8192, 128>}]} {
    %get3A = arith.constant 0 : index
    %get3A_0 = arith.constant 0 : index
    %get3A_1 = vector.load %arg1[%get3A, %get3A_0] : memref<64x8192xf32, #tpu.memory_space<vmem>>, vector<64x8192xf32>
    %transpose3A = tpu.transpose %get3A_1, [1, 0] : vector<64x8192xf32> -> vector<8192x64xf32>
    %swap3A = arith.constant 0 : index
    %swap3A_2 = arith.constant 0 : index
    %swap3A_3 = vector.load %arg2[%swap3A, %swap3A_2] : memref<8192x128xf32, #tpu.memory_space<vmem>>, vector<8192x64xf32>
    tpu.vector_store %arg2[%swap3A, %swap3A_2], %transpose3A {strides = array<i32>} : memref<8192x128xf32, #tpu.memory_space<vmem>>, vector<8192x64xf32>,
    return
  }
  func.func @transform_0(%arg0: i32) -> (i32, i32) {
    %c0_i32 = arith.constant 0 : i32
    %c0_i32_0 = arith.constant 0 : i32
    return %c0_i32, %arg0 : i32, i32
  }
  func.func @transform_1(%arg0: i32) -> (i32, i32) {
    %c0_i32 = arith.constant 0 : i32
    %c0_i32_0 = arith.constant 0 : i32
    return %arg0, %c0_i32 : i32, i32
  }
}

</mosaic_0001>

<sc_bundles>
// kernel: kernel.4.cloned.1.call-start
scs
__scs_entry_jumppad:
0x0: {  	(pc) =	sbr.rel $0x88, $3  }
0x1: {  	(tag) =	ssettag $0x0;
	lr =	simm.s32 $0x1  }
0x2: {  	[smem:$0x3F9E] =	sst lr;
	_ =	strace $0xD0000000  }
0x3: {  	_ = 	snop  }
0x4: {  	_ = 	snop  }
0x5: {  	_ = 	snop  }
0x6: {  	_ = 	snop  }
0x7: {  	_ = 	snop  }
__scs_overlays_trampoline_lowered:
0x8: {  	[smem:$0x3FAD] =	sst s0  }
0x9: {  	[smem:$0x3FAE] =	sst s1  }
0xa: {  	[smem:$0x3FAF] =	sst s2  }
0xb: {  	[smem:$0x3FB0] =	sst s3  }
0xc: {  	[smem:$0x3FB1] =	sst s4  }
0xd: {  	[smem:$0x3FB2] =	sst s5  }
0xe: {  	[smem:$0x3FB3] =	sst s6  }
0xf: {  	[smem:$0x3FB4] =	sst s7  }
0x10: {  	[smem:$0x3FB5] =	sst s8  }
0x11: {  	[smem:$0x3FB6] =	sst s9;
	s0 =	simm.s32 @!p0 $0x0  }
0x12: {  	s1 =	sld [smem:$0x3F9C];
	s0 =	simm.s32 @p0 $0x1  }
0x13: {  	[smem:$0x3FB7] =	sst s0;
	s0 =	simm.s32 @!p1 $0x0  }
0x14: {  	s2 =	sld [smem:$0x3F9B];
	s0 =	simm.s32 @p1 $0x1  }
0x15: {  	[smem:$0x3FB8] =	sst s0;
	s0 =	simm.s32 @!p2 $0x0  }
0x16: {  	s3 =	sld [smem:$0x3FDB];
	s0 =	simm.s32 @p2 $0x1  }
0x17: {  	s4 =	simm.s32 $0x1BF5;
	[smem:$0x3FBA] =	sst s0  }
0x18: {  	s0 =	sld [smem:$0x3F9D];
	_ =	swait.ge [sflag:s4], $0x0  }
0x19: {  	s7 =	sld [smem:$0x3F9E]  }
0x1a: {  	s8 =	sadd.s32 $0xFFFFE003, lr  }
0x1b: {  	s9 =	sadd.s32 $0xFFFFFEF7, lr;
	s5 =	simm.s32 $0xFFFFFFFF;
	p2 =	slt.u32 s8, $0xFFFFF086  }
0x1c: {  	p1 =	slt.u32 s9, $0xF7A;
	s5 =	simm.s32 @!p2 $0x0  }
0x1d: {  	s5 =	simm.s32 @p1 $0x1;
	p0 =	seq.s32 s7, s2  }
0x1e: {  	s7 =	smul.u32 @!p0 $0xF7A, s2;
	p2 =	seq.s32 @!p0 s5, $0x0  }
0x1f: {  	s9 =	smul.u32 $0xF7A, s1;
	s8 =	simm.s32 @!p0 $0x1BF5;
	p2 =	por !p2, p0  }
0x20: {  	[sflag:s8] =	ssyncset.s32 @!p0 $0xFFFFF086;
	s6 =	sadd.s32 @!p0 s3, s7;
	s7 =	simm.s32 @!p0 $0x108  }
0x21: {  	s3 =	sadd.s32 s3, s9;
	s6 =	sadd.s32 @!p0 $0x88, s6;
	s7 =	simm.s32 @p2 $0x1082  }
0x22: {  	[simem:s7], [sflag:s8] =	dma.local @!p0 [hbm:s6], $0xF7A  }
0x23: {  	s9 =	sor.u32 $0xD0000000, s2;
	s6 =	simm.s32 $0x108;
	_ =	swait.ge @!p0 [sflag:s8], $0x0  }
0x24: {  	s3 =	sadd.s32 $0x88, s3;
	s6 =	simm.s32 @!p1 $0x1082;
	[sflag:s4] =	ssyncset.s32 $0xFFFFF086  }
0x25: {  	[simem:s6], [sflag:s4] =	dma.local [hbm:s3], $0xF7A  }
0x26: {  	[smem:$0x3F9E] =	sst s1;
	(tag) =	ssettag s2;
	_ =	strace s9  }
0x27: {  	s1 =	sld [smem:$0x3FAE]  }
0x28: {  	s2 =	sld [smem:$0x3FAF]  }
0x29: {  	s4 =	sld [smem:$0x3FB1]  }
0x2a: {  	p0 =	seq.s32 s5, $0x0;
	s5 =	sld [smem:$0x3FB2]  }
0x2b: {  	s6 =	sld [smem:$0x3FB3]  }
0x2c: {  	s7 =	sld [smem:$0x3FB4]  }
0x2d: {  	s3 =	simm.s32 $0x108;
	s8 =	sld [smem:$0x3FB5]  }
0x2e: {  	s3 =	simm.s32 @!p0 $0x1082;
	s9 =	sld [smem:$0x3FB6]  }
0x2f: {  	lr =	sadd.s32 s0, s3;
	s0 =	sld [smem:$0x3FAD]  }
0x30: {  	s3 =	sld [smem:$0x3FB0]  }
0x31: {  	[smem:$0x3FB9] =	sst s10  }
0x32: {  	s10 =	sld [smem:$0x3FB7];
	_ =	sdelay $0x3  }
0x33: {  	p0 =	seq.s32 s10, $0x1;
	s10 =	sld [smem:$0x3FB9];
	_ =	sdelay $0x3  }
0x34: {  	[smem:$0x3FB9] =	sst s10  }
0x35: {  	s10 =	sld [smem:$0x3FB8];
	_ =	sdelay $0x3  }
0x36: {  	p1 =	seq.s32 s10, $0x1;
	s10 =	sld [smem:$0x3FB9];
	_ =	sdelay $0x3  }
0x37: {  	[smem:$0x3FB9] =	sst s10  }
0x38: {  	s10 =	sld [smem:$0x3FBA]  }
0x39: {  	_ = 	snop;
	(pc) =	sbr.ind lr, $3  }
0x3a: {  	_ = 	snop  }
0x3b: {  	_ = 	snop  }
0x3c: {  	p2 =	seq.s32 s10, $0x1;
	s10 =	sld [smem:$0x3FB9]  }
0x3d: {  	_ =	shalt  }
0x3e: {  	_ =	shalt  }
0x3f: {  	_ =	shalt  }
0x40: {  	_ =	shalt  }
0x41: {  	_ =	shalt  }
0x42: {  	_ =	shalt  }
0x43: {  	_ =	shalt  }
0x44: {  	_ =	shalt  }
0x45: {  	_ =	shalt  }
0x46: {  	_ =	shalt  }
0x47: {  	_ =	shalt  }
0x48: {  	_ =	shalt  }
0x49: {  	_ =	shalt  }
0x4a: {  	_ =	shalt  }
0x4b: {  	_ =	shalt  }
0x4c: {  	_ =	shalt  }
0x4d: {  	_ =	shalt  }
0x4e: {  	_ =	shalt  }
0x4f: {  	_ =	shalt  }
0x50: {  	_ =	shalt  }
0x51: {  	_ =	shalt  }
0x52: {  	_ =	shalt  }
0x53: {  	_ =	shalt  }
0x54: {  	_ =	shalt  }
0x55: {  	_ =	shalt  }
0x56: {  	_ =	shalt  }
0x57: {  	_ =	shalt  }
0x58: {  	_ =	shalt  }
0x59: {  	_ =	shalt  }
0x5a: {  	_ =	shalt  }
0x5b: {  	_ =	shalt  }
0x5c: {  	_ =	shalt  }
0x5d: {  	_ =	shalt  }
0x5e: {  	_ =	shalt  }
0x5f: {  	_ =	shalt  }
0x60: {  	_ =	shalt  }
0x61: {  	_ =	shalt  }
0x62: {  	_ =	shalt  }
0x63: {  	_ =	shalt  }
0x64: {  	_ =	shalt  }
0x65: {  	_ =	shalt  }
0x66: {  	_ =	shalt  }
0x67: {  	_ =	shalt  }
0x68: {  	_ =	shalt  }
0x69: {  	_ =	shalt  }
0x6a: {  	_ =	shalt  }
0x6b: {  	_ =	shalt  }
0x6c: {  	_ =	shalt  }
0x6d: {  	_ =	shalt  }
0x6e: {  	_ =	shalt  }
0x6f: {  	_ =	shalt  }
0x70: {  	_ =	shalt  }
0x71: {  	_ =	shalt  }
0x72: {  	_ =	shalt  }
0x73: {  	_ =	shalt  }
0x74: {  	_ =	shalt  }
0x75: {  	_ =	shalt  }
0x76: {  	_ =	shalt  }
0x77: {  	_ =	shalt  }
0x78: {  	_ =	shalt  }
0x79: {  	_ =	shalt  }
0x7a: {  	_ =	shalt  }
0x7b: {  	_ =	shalt  }
0x7c: {  	_ =	shalt  }
0x7d: {  	_ =	shalt  }
0x7e: {  	_ =	shalt  }
0x7f: {  	_ =	shalt  }
0x80: {  	_ =	shalt  }
0x81: {  	_ =	shalt  }
0x82: {  	_ =	shalt  }
0x83: {  	_ =	shalt  }
0x84: {  	_ =	shalt  }
0x85: {  	_ =	shalt  }
0x86: {  	_ =	shalt  }
0x87: {  	_ =	shalt  }
.Lfunc_end0:
.L_simem_size_0:
called_computation.1_lowered:
.L_overlay_start_0:
0x88: {  	s2 =	sld [smem:$0x3FD9]  }
0x89: {  	s3 =	sld [smem:$0x3FFE];
	_ =	sdelay $0x1  }
0x8a: {  	s1 =	srdreg.scid  }
0x8b: {  	s0 =	sand.u32 $0x1, s1  }
0x8c: {  	s17 =	sshll.u32 s0, $0xA;
	s2 =	sadd.s32 s3, s2  }
0x8d: {  	s2 =	sadd.s32 s2, s17  }
0x8e: {  	[smem:$0x3FC5] =	sst s2  }
0x8f: {  	_ = 	snop  }
0x90: {  	s2 =	sld [smem:$0x3FD0];
	(tm) =	ssettm $0x1  }
0x91: {  	s18 =	sld [smem:$0x3FFB];
	_ =	sdelay $0x3  }
0x92: {  	_ =	strace s18  }
0x93: {  	s3 =	sld [smem:$0x3FFC];
	_ =	sdelay $0x3  }
0x94: {  	_ =	strace s3  }
0x95: {  	s3 =	sld [smem:$0x3FFD];
	_ =	sdelay $0x3  }
0x96: {  	_ =	strace s3  }
0x97: {  	_ =	strace $0x8FFFFFFF  }
0x98: {  	s19 =	sld [smem:$0x3FDB];
	_ =	sdelay $0x1  }
0x99: {  	s4 =	simm.s32 $_scs_section_size  }
0x9a: {  	s5 =	simm.s32 $_size__tile_overlayer_lowered;
	s6 =	simm.s32 $_tile_overlayer_lowered  }
0x9b: {  	s22 =	simm.s32 $0x1BFF;
	s21 =	sshll.u32 s6, $0x1;
	s3 =	sadd.s32 s4, s19  }
0x9c: {  	s7 =	simm.s32 $0x0;
	s20 =	sshll.u32 s5, $0x1;
	s5 =	sadd.s32 s21, s3  }
0x9d: {  	[timem:s7], [sflag:s22] =	dma.local [hbm:s5], s20  }
0x9e: {  	_ =	swait.ge [sflag:s22], s20  }
0x9f: {  	s4 =	ssub.s32 $0x0, s20;
	[sflag:s22] =	ssyncset.done $0x0  }
0xa0: {  	[sflag:s22] =	ssyncadd.s32 s4;
	_ =	sdelay $0x1  }
0xa1: {  	s23 =	simm.s32 $0x1B8B  }
0xa2: {  	_ =	swait.ge [sflag:s23], $0x1  }
0xa3: {  	[sflag:s23] =	ssyncset.done $0x0  }
0xa4: {  	s25 =	simm.s32 $0x1B8E;
	s24 =	sld [smem:$0x3FFE];
	[sflag:s23] =	ssyncadd.s32 $0xFFFFFFFF  }
0xa5: {  	s26 =	simm.s32 $execute0_lowered;
	[smem:$0x3FD2] =	sst s25  }
0xa6: {  	s5 =	sshll.u32 s26, $0x1;
	_ =	strace $0x80000046;
	[dreg:$0x1] =	wrdreg $0xFFFFFFFF  }
0xa7: {  	s28 =	simm.s32 $_size_execute0_lowered;
	s3 =	sadd.s32 s3, s5;
	[dreg:$0x0] =	wrdreg $0x0  }
0xa8: {  	s5 =	sshll.u32 s28, $0x1;
	[dreg:$0x2] =	wrdreg s3  }
0xa9: {  	[dreg:$0x3] =	wrdreg s5  }
0xaa: {  	[dreg:$0x4] =	wrdreg $0xC0  }
0xab: {  	_ =	task [dreg:s7], $0x5FFFF  }
0xac: {  	[dreg:$0x1] =	wrdreg $0xFFFFFFFF  }
0xad: {  	[dreg:$0x0] =	wrdreg $0x60  }
0xae: {  	[dreg:$0x2] =	wrdreg s2  }
0xaf: {  	[dreg:$0x3] =	wrdreg s24  }
0xb0: {  	[dreg:$0x4] =	wrdreg $0x64000  }
0xb1: {  	[dreg:$0x5] =	wrdreg $0x9  }
0xb2: {  	_ =	task.clear_ibuf [dreg:s7], $0x6FFFF;
	_ =	strace $0x90000046  }
0xb3: {  	s29 =	simm.s32 $0x9;
	_ =	strace $0x80000048  }
0xb4: {  	_ =	swait.ge [sflag:s29], $0x1  }
0xb5: {  	[sflag:s29] =	ssyncadd.s32 $0xFFFFFFFF  }
0xb6: {  	_ =	strace $0x90000048  }
0xb7: {  	_ =	sfence  }
0xb8: {  	s30 =	sld [smem:$0x0];
	_ =	sdelay $0x2  }
0xb9: {  	s31 =	sshll.u32 s1, $0xD;
	s1 =	sshrl.u32 s1, $0x2  }
0xba: {  	s3 =	sand.u32 $0x4000, s31;
	s1 =	sadd.s32 s1, s30  }
0xbb: {  	s0 =	sor.u32 s3, s0;
	s1 =	sshll.u32 s1, $0x11  }
0xbc: {  	s0 =	sor.u32 s1, s0  }
0xbd: {  	s0 =	sadd.s32 $0x8F2B, s0  }
0xbe: {  	[sflag:s0] =	ssyncadd.remote.s32 $0x1  }
0xbf: {  	_ =	sfence.sel $0xFFFF  }
0xc0: {  	[dreg:$0x0] =	wrdreg $0xFFFFFFFF;
	(pc) =	sbr.abs _section_cstart, $3  }
0xc1: {  	[dreg:$0x1] =	wrdreg $0xFFFFFFFF  }
0xc2: {  	_ =	task.clear_ibuf [dreg:s7], $0x2FFFF;
	_ =	strace $0x9FFFFFFF  }
0xc3: {  	(tm) =	ssettm $0x7FFFFFFF  }
tec
execute0_lowered:
.L_overlay_start_1:
0x0: {  	(tag) =	ssettag $0x1  }
0x1: {  	s0 =	rddreg [dreg:$0x0]  }
0x2: {  	s2 =	rddreg [dreg:$0x1]  }
0x3: {  	s1 =	rddreg [dreg:$0x2];
	s3 =	srdreg.scid  }
0x4: {  	s7 =	stileid.u32;
	s4 =	simm.s32 $0x0;
	s16 =	simm.s32 $0x4  }
0x5: {  	s17 =	simm.s32 $0xA0;
	s18 =	simm.s32 $0xE880;
	s28 =	simm.s32 $0x40  }
0x6: {  	s29 =	simm.s32 $0x80;
	s30 =	simm.s32 $0x7080;
	s31 =	simm.s32 $0x3  }
0x7: {  	s8 =	sand.u32 $0x1, s3;
	s21 =	sshll.u32 s7, $0x1;
	[smem:$0x7FF] =	sst s4  }
0x8: {  	s3 =	sadd.s32 $0x1000, s2;
	s5 =	sadd.s32 $0x800, s2;
	s10 =	smul.u32 $0xC8000, s7  }
0x9: {  	s6 =	sadd.s32 $0xF43400, s2;
	s11 =	smul.u32 $0xC800, s7;
	s13 =	sadd.s32 $0x9600, s1  }
0xa: {  	p0 =	sne.s32 s7, $0x0;
	s22 =	sor.u32 s8, s21;
	s12 =	smul.u32 $0x6400, s8  }
0xb: {  	_ =	strace $0x80000047;
	s9 =	ssub.s32 $0x2, s8;
	s8 =	smul.u32 $0x64000, s8  }
0xc: {  	s21 =	simm.s32 $0xB;
	s4 =	smul.u32 $0x6400, s22;
	s23 =	sshrl.u32 s9, $0x1  }
0xd: {  	s22 =	simm.s32 $0xC;
	s2 =	ssub.s32 s9, s23;
	s9 =	sadd.s32 $0x6400, s1  }
0xe: {  	s11 =	sadd.s32 s12, s11;
	s25 =	sadd.s32 s8, s10;
	s23 =	simm.s32 $0xC080  }
0xf: {  	s24 =	sshrl.u32 s4, $0x3;
	s2 =	smax.u32 s2, $0x1;
	[dreg:$0x6] =	wrdreg s25  }
0x10: {  	s26 =	sshll.u32 s11, $0x4;
	s0 =	sadd.s32 s0, s24;
	[dreg:$0x5] =	wrdreg s2  }
0x11: {  	s2 =	sor.u32 $0xA00, s26;
	[dreg:$0x4] =	wrdreg s0;
	s0 =	sadd.s32 $0x3200, s1  }
.Ltmp0:
0x12: {  	[dreg:$0x7] =	wrdreg s2;
	s2 =	sshrl.u32 @!p0 s1, $0x3;
	(pc) =	sbr.rel .LBB2_1-.Ltmp0, $4  }
0x13: {  	s25 =	simm.s32 $0x9880;
	[dreg:$0x8] =	wrdreg s2;
	s0 =	sshrl.u32 @!p0 s0, $0x3  }
0x14: {  	s24 =	simm.s32 $0x2;
	[dreg:$0x9] =	wrdreg s0;
	s0 =	sshrl.u32 @!p0 s9, $0x3  }
0x15: {  	s26 =	simm.s32 $0x5;
	[dreg:$0xa] =	wrdreg s0;
	s0 =	sshrl.u32 @!p0 s13, $0x3  }
0x16: {  	s2 =	simm.s32 $0x0;
	[dreg:$0xb] =	wrdreg s0;
	s0 =	simm.s32 $0x6  }
.LBB2_7:
0x17: {  	s7 =	simm.s32 $0x9  }
0x18: {  	_ =	swait.ge [sflag:s7], $0x2800  }
0x19: {  	[sflag:s7] =	ssyncset.done $0x0  }
0x1a: {  	s19 =	simm.s32 $0xA;
	[sflag:s7] =	ssyncadd.s32 $0xFFFFD800  }
0x1b: {  	_ =	swait.ge [sflag:s19], $0x2800  }
0x1c: {  	[sflag:s19] =	ssyncset.done $0x0  }
0x1d: {  	[sflag:s19] =	ssyncadd.s32 $0xFFFFD800  }
0x1e: {  	_ =	swait.ge [sflag:s21], $0x2800  }
0x1f: {  	[sflag:s21] =	ssyncset.done $0x0  }
0x20: {  	[sflag:s21] =	ssyncadd.s32 $0xFFFFD800  }
0x21: {  	_ =	swait.ge [sflag:s22], $0x2800  }
0x22: {  	s2 =	sadd.s32 $0x1, s2;
	s20 =	rddreg [dreg:$0x5]  }
0x23: {  	p1 =	sne.s32 s2, s20  }
.Ltmp1:
0x24: {  	_ = 	snop;
	(pc) =	sbr.rel @!p1 .LBB2_8-.Ltmp1, $3  }
0x25: {  	_ =	sdelay $0x1  }
0x26: {  	[sflag:s22] =	ssyncset.done $0x0  }
0x27: {  	[sflag:s22] =	ssyncadd.s32 $0xFFFFD800  }
.LBB2_1:
0x28: {  	s7 =	simm.s32 $0x0;
	s8 =	rddreg [dreg:$0x4];
	s20 =	simm.s32 $0xD  }
0x29: {  	[tilespmem:s7], [sflag:$0xD] =	stream.linear.gather [hbm4b:s8+s7], $0x6400, $0x38;
	[tilespmem:$0x11080] =	vst v63  }
0x2a: {  	_ =	swait.ge [sflag:s20], $0x6400  }
0x2b: {  	[sflag:s20] =	ssyncset.done $0x0  }
0x2c: {  	s7 =	simm.s32 @!p0 $0x1C0D;
	s8 =	rddreg [dreg:$0x8];
	[sflag:s20] =	ssyncadd.s32 $0xFFFF9C00  }
0x2d: {  	[spmem:s8], [sflag:s7] =	dma.local @!p0 [hbm:s5], $0x640  }
0x2e: {  	s8 =	simm.s32 @!p0 $0xD  }
0x2f: {  	_ =	swait.ge @!p0 [sflag:s8], $0x640  }
0x30: {  	[sflag:s8] =	ssyncset.done @!p0 $0x0  }
0x31: {  	s9 =	rddreg [dreg:$0x9];
	[sflag:s8] =	ssyncadd.s32 @!p0 $0xFFFFF9C0  }
0x32: {  	[spmem:s9], [sflag:s7] =	dma.local @!p0 [hbm:s5], $0x640  }
0x33: {  	_ =	swait.ge @!p0 [sflag:s8], $0x640  }
0x34: {  	[sflag:s8] =	ssyncset.done @!p0 $0x0  }
0x35: {  	s9 =	rddreg [dreg:$0xa];
	[sflag:s8] =	ssyncadd.s32 @!p0 $0xFFFFF9C0  }
0x36: {  	[spmem:s9], [sflag:s7] =	dma.local @!p0 [hbm:s5], $0x640  }
0x37: {  	_ =	swait.ge @!p0 [sflag:s8], $0x640  }
0x38: {  	[sflag:s8] =	ssyncset.done @!p0 $0x0  }
0x39: {  	s9 =	rddreg [dreg:$0xb];
	[sflag:s8] =	ssyncadd.s32 @!p0 $0xFFFFF9C0  }
0x3a: {  	[spmem:s9], [sflag:s7] =	dma.local @!p0 [hbm:s5], $0x640  }
0x3b: {  	_ =	swait.ge @!p0 [sflag:s8], $0x640  }
0x3c: {  	[sflag:s8] =	ssyncset.done @!p0 $0x0  }
0x3d: {  	[sflag:s8] =	ssyncadd.s32 @!p0 $0xFFFFF9C0  }
0x3e: {  	[bflag:$0x0] =	sbarrier.arrive $0xFFFF  }
0x3f: {  	s12 =	simm.s32 $0x0;
	s10 =	rddreg [dreg:$0x7]  }
0x40: {  	s9 =	simm.s32 $0x2;
	s8 =	simm.s32 $0x0;
	s7 =	rddreg [dreg:$0x6]  }
.LBB2_2:
0x41: {  	p1 =	seq.s32 s9, $0xA2  }
0x42: {  	s13 =	smul.u32 @!p1 $0x280, s12;
	_ =	sdelay $0x1  }
0x43: {  	s14 =	sand.u32 @!p1 $0xFF80, s13  }
0x44: {  	s14 =	sshrl.u32 @!p1 s14, $0x5  }
0x45: {  	s14 =	smul.u32 @!p1 $0xA3E, s14;
	_ =	sdelay $0x1  }
0x46: {  	s14 =	sshrl.u32 @!p1 s14, $0x10  }
0x47: {  	s15 =	sadd.s32 $0xFFFFFFFA, s9;
	s14 =	smul.u32 @!p1 $0x320, s14  }
0x48: {  	p2 =	sgt.u32 s15, $0x9B  }
0x49: {  	s13 =	ssub.s32 @!p1 s13, s14;
	s14 =	simm.s32 @!p2 $0x9  }
0x4a: {  	_ =	swait.ge @!p2 [sflag:s14], $0x2800;
	s13 =	sand.u32 @!p1 $0xFFE0, s13  }
0x4b: {  	[sflag:s14] =	ssyncset.done @!p2 $0x0;
	s13 =	sshll.u32 @!p1 s13, $0x6  }
0x4c: {  	[sflag:s14] =	ssyncadd.s32 @!p2 $0xFFFFD800;
	s14 =	sadd.s32 @!p1 s13, s1;
	s13 =	simm.s32 @!p1 $0x7080  }
0x4d: {  	[tilespmem:s13], [sflag:$0x1] =	stream.linear.gather @!p1 [spmem:s14], $0x2800, $0x38;
	[tilespmem:$0x11080] =	vst v63  }
0x4e: {  	s14 =	sadd.s32 @!p1 $0xFFFFFFFD, s9  }
0x4f: {  	p3 =	sgt.u32 @!p1 s14, $0x9F  }
0x50: {  	p3 =	por p1, !p3  }
.Ltmp2:
0x51: {  	_ = 	snop;
	(pc) =	sbr.rel @!p3 .LBB2_3-.Ltmp2, $1  }
0x52: {  	_ =	sdelay $0x3  }
0x53: {  	s14 =	simm.s32 @p1 $0x9F  }
0x54: {  	_ =	swait.ge [sflag:s16], $0x2800;
	s20 =	sadd.s32 $0xFFFFFFFC, s9;
	s15 =	smul.u32 $0x280, s14  }
0x55: {  	p3 =	por $0x1, $0x1;
	[sflag:s16] =	ssyncset.done $0x0;
	p4 =	sgt.u32 s20, $0x9F  }
0x56: {  	[sflag:s16] =	ssyncadd.s32 $0xFFFFD800;
	s11 =	sadd.s32 @!p4 $0xFFFFEC00, s7;
	s15 =	sshra.s32 s15, $0x2  }
0x57: {  	[tilespmem:s18], [sflag:$0x8] =	stream.indirect.gather.add.f32 [hbm:s3], $0x40, s15, s17, $0xb8;
	[tilespmem:$0x11080] =	vst v63  }
.Ltmp3:
0x58: {  	s19 =	simm.s32 @!p4 $0x80;
	s15 =	simm.s32 @!p4 $0x7;
	(pc) =	sbr.rel .LBB2_5-.Ltmp3, $4  }
0x59: {  	s20 =	simm.s32 @!p4 $0xC080;
	p5 =	por @!p4 $0x1, $0x1;
	_ =	swait.ge @!p4 [sflag:s15], $0x2800  }
0x5a: {  	s11 =	sand.u32 @!p4 $0x1FFFFC00, s11;
	p3 =	por @!p4 p5, p5;
	[sflag:s15] =	ssyncset.done @!p4 $0x0  }
0x5b: {  	s11 =	sadd.s32 @!p4 s6, s11;
	[sflag:s15] =	ssyncadd.s32 @!p4 $0xFFFFD800;
	s15 =	simm.s32 @!p4 $0x40  }
0x5c: {  	[hbm4b:s11+s15] =	stream.strided.scatter @!p4 [tilespmem:s20], [sflag:$0xB], $0x2800, s19, s15, $0x38;
	[tilespmem:$0x11080] =	vst v63  }
.LBB2_3:
0x5d: {  	p3 =	por @!p1 $0x0, $0x0;
	s14 =	simm.s32 @!p1 $0xFFFFFFFF  }
.LBB2_5:
0x5e: {  	s11 =	sadd.s32 $0xFFFFFFFF, s9  }
0x5f: {  	s11 =	smul.u32 @!p1 $0xA0, s11;
	_ =	sdelay $0x1  }
0x60: {  	s15 =	sand.u32 @!p1 $0xFFE0, s11  }
0x61: {  	s15 =	sshrl.u32 @!p1 s15, $0x5  }
0x62: {  	s15 =	smul.u32 @!p1 $0xA3E, s15;
	_ =	sdelay $0x1  }
0x63: {  	p4 =	seq.s32 s12, $0x0;
	s15 =	sshrl.u32 @!p1 s15, $0x10  }
0x64: {  	p5 =	seq.s32 @!p4 s12, $0x28;
	s15 =	smul.u32 @!p1 $0x320, s15  }
0x65: {  	p4 =	por p5, p4  }
0x66: {  	s11 =	ssub.s32 @!p1 s11, s15;
	s15 =	simm.s32 @!p4 $0xA  }
0x67: {  	_ =	swait.ge @!p4 [sflag:s15], $0x2800;
	s11 =	sand.u32 @!p1 $0xFFE0, s11  }
0x68: {  	[sflag:s15] =	ssyncset.done @!p4 $0x0;
	s11 =	sshll.u32 @!p1 s11, $0x6  }
0x69: {  	[sflag:s15] =	ssyncadd.s32 @!p4 $0xFFFFD800;
	s11 =	sadd.s32 @!p1 s11, s1;
	s15 =	simm.s32 @!p1 $0x9880  }
0x6a: {  	[tilespmem:s15], [sflag:$0x2] =	stream.linear.gather @!p1 [spmem:s11], $0x2800, $0x38;
	[tilespmem:$0x11080] =	vst v63  }
0x6b: {  	s11 =	simm.s32 @!p1 $0x1  }
0x6c: {  	_ =	swait.ge @!p1 [sflag:s11], $0x2800  }
0x6d: {  	[sflag:s11] =	ssyncset.done @!p1 $0x0  }
0x6e: {  	s14 =	smul.u32 @p3 $0xA0, s14;
	[sflag:s11] =	ssyncadd.s32 @!p1 $0xFFFFD800;
	s11 =	simm.s32 @!p1 $0xA0  }
0x6f: {  	[tilespmem:s13], [sflag:$0x5] =	stream.indirect.gather.add.f32 @!p1 [hbm:s3], $0x40, s8, s11, $0xb8;
	[tilespmem:$0x11080] =	vst v63  }
0x70: {  	s11 =	simm.s32 @p3 $0x8;
	s13 =	sadd.s32 @p3 s4, s14  }
0x71: {  	s15 =	simm.s32 @p3 $0xE880;
	_ =	swait.ge @p3 [sflag:s11], $0x2800;
	s13 =	sshll.u32 @p3 s13, $0x4  }
0x72: {  	s14 =	simm.s32 @p3 $0x80;
	[sflag:s11] =	ssyncset.done @p3 $0x0;
	s13 =	sand.u32 @p3 $0x1FFFFE00, s13  }
0x73: {  	[sflag:s11] =	ssyncadd.s32 @p3 $0xFFFFD800;
	s11 =	sadd.s32 @p3 s6, s13;
	s13 =	simm.s32 @p3 $0x40  }
0x74: {  	[hbm4b:s11+s13] =	stream.strided.scatter @p3 [tilespmem:s15], [sflag:$0xC], $0x2800, s14, s13, $0x38;
	[tilespmem:$0x11080] =	vst v63  }
.Ltmp4:
0x75: {  	_ = 	snop;
	(pc) =	sbr.rel @p1 .LBB2_7-.Ltmp4, $4  }
0x76: {  	s11 =	simm.s32 @!p2 $0xB  }
0x77: {  	_ =	swait.ge @!p2 [sflag:s11], $0x2800  }
0x78: {  	[sflag:s11] =	ssyncset.done @!p2 $0x0  }
0x79: {  	[sflag:s11] =	ssyncadd.s32 @!p2 $0xFFFFD800  }
0x7a: {  	s11 =	smul.u32 $0xA0, s9;
	_ =	sdelay $0x1  }
0x7b: {  	s13 =	sand.u32 $0xFFE0, s11  }
0x7c: {  	s13 =	sshrl.u32 s13, $0x5  }
0x7d: {  	s13 =	smul.u32 $0xA3E, s13;
	_ =	sdelay $0x1  }
0x7e: {  	s13 =	sshrl.u32 s13, $0x10  }
0x7f: {  	s13 =	smul.u32 $0x320, s13;
	_ =	sdelay $0x1  }
0x80: {  	s11 =	ssub.s32 s11, s13  }
0x81: {  	s11 =	sand.u32 $0xFFE0, s11  }
0x82: {  	s11 =	sshll.u32 s11, $0x6  }
0x83: {  	s11 =	sadd.s32 s11, s1  }
0x84: {  	[tilespmem:s23], [sflag:$0x3] =	stream.linear.gather [spmem:s11], $0x2800, $0x38;
	[tilespmem:$0x11080] =	vst v63  }
0x85: {  	s14 =	smul.u32 $0x280, s12;
	_ =	swait.ge [sflag:s24], $0x2800  }
0x86: {  	[sflag:s24] =	ssyncset.done $0x0  }
0x87: {  	s15 =	sadd.s32 $0x1E0, s14;
	s13 =	sadd.s32 $0xA0, s8;
	[sflag:s24] =	ssyncadd.s32 $0xFFFFD800  }
0x88: {  	[tilespmem:s25], [sflag:$0x6] =	stream.indirect.gather.add.f32 [hbm:s3], $0x40, s13, s17, $0xb8;
	[tilespmem:$0x11080] =	vst v63  }
0x89: {  	s13 =	sand.u32 $0xFFE0, s15  }
0x8a: {  	s13 =	sshrl.u32 s13, $0x5  }
0x8b: {  	s13 =	smul.u32 $0xA3E, s13  }
0x8c: {  	_ =	swait.ge [sflag:s26], $0x2800  }
0x8d: {  	p1 =	seq.s32 s9, $0x2;
	[sflag:s26] =	ssyncset.done $0x0;
	s13 =	sshrl.u32 s13, $0x10  }
0x8e: {  	s14 =	sadd.s32 s7, s6;
	[sflag:s26] =	ssyncadd.s32 $0xFFFFD800;
	s13 =	smul.u32 $0x320, s13  }
0x8f: {  	[hbm4b:s14+s28] =	stream.strided.scatter [tilespmem:s30], [sflag:$0x9], $0x2800, s29, s28, $0x38;
	[tilespmem:$0x11080] =	vst v63  }
0x90: {  	s11 =	ssub.s32 s15, s13;
	s13 =	simm.s32 @!p1 $0xC  }
0x91: {  	_ =	swait.ge @!p1 [sflag:s13], $0x2800;
	s11 =	sand.u32 $0xFFE0, s11  }
0x92: {  	[sflag:s13] =	ssyncset.done @!p1 $0x0;
	s11 =	sshll.u32 s11, $0x6  }
0x93: {  	[sflag:s13] =	ssyncadd.s32 @!p1 $0xFFFFD800;
	s11 =	sadd.s32 s11, s1  }
0x94: {  	[tilespmem:s18], [sflag:$0x4] =	stream.linear.gather [spmem:s11], $0x2800, $0x38;
	[tilespmem:$0x11080] =	vst v63  }
0x95: {  	_ =	swait.ge [sflag:s31], $0x2800  }
0x96: {  	[sflag:s31] =	ssyncset.done $0x0  }
0x97: {  	s19 =	sadd.s32 $0x140, s8;
	[sflag:s31] =	ssyncadd.s32 $0xFFFFD800  }
0x98: {  	[tilespmem:s23], [sflag:$0x7] =	stream.indirect.gather.add.f32 [hbm:s3], $0x40, s19, s17, $0xb8;
	[tilespmem:$0x11080] =	vst v63  }
.Ltmp5:
0x99: {  	_ = 	snop;
	(pc) =	sbr.rel .LBB2_2-.Ltmp5, $4  }
0x9a: {  	s20 =	sadd.s32 s10, s6;
	s12 =	sadd.s32 $0x1, s12;
	_ =	swait.ge [sflag:s0], $0x2800  }
0x9b: {  	s9 =	sadd.s32 $0x4, s9;
	s10 =	sadd.s32 $0x2800, s10;
	[sflag:s0] =	ssyncset.done $0x0  }
0x9c: {  	s7 =	sadd.s32 $0x2800, s7;
	s8 =	sadd.s32 $0x280, s8;
	[sflag:s0] =	ssyncadd.s32 $0xFFFFD800  }
0x9d: {  	[hbm4b:s20+s28] =	stream.strided.scatter [tilespmem:s25], [sflag:$0xA], $0x2800, s29, s28, $0x38;
	[tilespmem:$0x11080] =	vst v63  }
.LBB2_8:
0x9e: {  	_ =	sfence.sel $0x180000  }
0x9f: {  	[bflag:$0x0] =	sbarrier.arrive $0xFFFF  }
0xa0: {  	_ =	strace $0x90000047  }
0xa1: {  	[bflag:$0x2] =	sbarrier.arrive $0xFFFF  }
0xa2: {  	s0 =	rddreg [dreg:$0x3]  }
0xa3: {  	s0 =	sadd.s32 @!p0 $0x100000, s0  }
0xa4: {  	[sflag:s0] =	ssyncadd.tile.s32 @!p0 $0x1;
	_ =	shalt  }
.Lfunc_end2:
_tile_overlayer_lowered:
.L_overlay_start_2:
0xa5: {  	(tag) =	ssettag $0x2  }
0xa6: {  	s0 =	rddreg [dreg:$0x0];
	s2 =	stileid.u32  }
0xa7: {  	s1 =	rddreg [dreg:$0x1];
	p0 =	sne.s32 s2, $0x0  }
0xa8: {  	s3 =	rddreg [dreg:$0x2];
	[bflag:$0x3] =	sbarrier.arrive $0xFFFF;
	s2 =	simm.s32 @!p0 $0x1C0D  }
0xa9: {  	[timem:s3], [sflag:s2] =	dma.local @!p0 [hbm:s0], s1  }
0xaa: {  	s0 =	simm.s32 @!p0 $0xD  }
0xab: {  	_ =	swait.ge @!p0 [sflag:s0], s1  }
0xac: {  	s1 =	ssub.s32 @!p0 $0x0, s1;
	[sflag:s0] =	ssyncset.done @!p0 $0x0  }
0xad: {  	[sflag:s0] =	ssyncadd.s32 @!p0 s1  }
0xae: {  	[bflag:$0x3] =	sbarrier.arrive $0xFFFF  }
0xaf: {  	_ =	shalt  }

// kernel: sparse-core-data-format-call.cloned.1.call-start
scs
called_computation_lowered:
.L_overlay_start_0:
0x0: {  	s2 =	sld [smem:$0x3FD9]  }
0x1: {  	s3 =	sld [smem:$0x3FFE];
	_ =	sdelay $0x1  }
0x2: {  	s1 =	srdreg.scid  }
0x3: {  	s0 =	sand.u32 $0x1, s1  }
0x4: {  	s18 =	sshll.u32 s0, $0xA;
	s2 =	sadd.s32 s3, s2  }
0x5: {  	s2 =	sadd.s32 s2, s18  }
0x6: {  	[smem:$0x3FC5] =	sst s2  }
0x7: {  	_ = 	snop  }
0x8: {  	s2 =	sld [smem:$0x3FD0];
	(tm) =	ssettm $0x1  }
0x9: {  	s19 =	sld [smem:$0x3FFB];
	_ =	sdelay $0x3  }
0xa: {  	_ =	strace s19  }
0xb: {  	s3 =	sld [smem:$0x3FFC];
	_ =	sdelay $0x3  }
0xc: {  	_ =	strace s3  }
0xd: {  	s3 =	sld [smem:$0x3FFD];
	_ =	sdelay $0x3  }
0xe: {  	_ =	strace s3  }
0xf: {  	_ =	strace $0x8FFFFFFF  }
0x10: {  	s20 =	sld [smem:$0x3FDB];
	_ =	sdelay $0x1  }
0x11: {  	s4 =	simm.s32 $_scs_section_size  }
0x12: {  	s5 =	simm.s32 $_size__tile_overlayer_lowered;
	s6 =	simm.s32 $_tile_overlayer_lowered  }
0x13: {  	s23 =	simm.s32 $0x1BFF;
	s22 =	sshll.u32 s6, $0x1;
	s3 =	sadd.s32 s4, s20  }
0x14: {  	s7 =	simm.s32 $0x0;
	s21 =	sshll.u32 s5, $0x1;
	s5 =	sadd.s32 s22, s3  }
0x15: {  	[timem:s7], [sflag:s23] =	dma.local [hbm:s5], s21  }
0x16: {  	_ =	swait.ge [sflag:s23], s21  }
0x17: {  	s4 =	ssub.s32 $0x0, s21;
	[sflag:s23] =	ssyncset.done $0x0  }
0x18: {  	[sflag:s23] =	ssyncadd.s32 s4;
	_ =	sdelay $0x1  }
0x19: {  	s24 =	simm.s32 $0x1B8B  }
0x1a: {  	_ =	swait.ge [sflag:s24], $0x1  }
0x1b: {  	[sflag:s24] =	ssyncset.done $0x0  }
0x1c: {  	s26 =	simm.s32 $0x1B8E;
	s25 =	sld [smem:$0x3FFE];
	[sflag:s24] =	ssyncadd.s32 $0xFFFFFFFF  }
0x1d: {  	s27 =	simm.s32 $execute0_lowered;
	[smem:$0x3FD2] =	sst s26  }
0x1e: {  	s5 =	sshll.u32 s27, $0x1;
	_ =	strace $0x80000049;
	[dreg:$0x1] =	wrdreg $0xFFFFFFFF  }
0x1f: {  	s28 =	simm.s32 $_size_execute0_lowered;
	s3 =	sadd.s32 s3, s5;
	[dreg:$0x0] =	wrdreg $0x0  }
0x20: {  	s5 =	sshll.u32 s28, $0x1;
	[dreg:$0x2] =	wrdreg s3  }
0x21: {  	[dreg:$0x3] =	wrdreg s5  }
0x22: {  	[dreg:$0x4] =	wrdreg $0xC0  }
0x23: {  	_ =	task [dreg:s7], $0x5FFFF  }
0x24: {  	[dreg:$0x1] =	wrdreg $0xFFFFFFFF  }
0x25: {  	[dreg:$0x0] =	wrdreg $0x60  }
0x26: {  	[dreg:$0x2] =	wrdreg s25  }
0x27: {  	[dreg:$0x3] =	wrdreg s2  }
0x28: {  	[dreg:$0x4] =	wrdreg $0x9  }
0x29: {  	_ =	task.clear_ibuf [dreg:s7], $0x5FFFF;
	_ =	strace $0x90000049  }
0x2a: {  	s29 =	simm.s32 $0x9;
	_ =	strace $0x8000004B  }
0x2b: {  	_ =	swait.ge [sflag:s29], $0x1  }
0x2c: {  	[sflag:s29] =	ssyncadd.s32 $0xFFFFFFFF  }
0x2d: {  	_ =	strace $0x9000004B  }
0x2e: {  	_ =	sfence  }
0x2f: {  	s30 =	sld [smem:$0x0];
	_ =	sdelay $0x2  }
0x30: {  	s31 =	sshll.u32 s1, $0xD;
	s1 =	sshrl.u32 s1, $0x2  }
0x31: {  	s3 =	sand.u32 $0x4000, s31;
	s1 =	sadd.s32 s1, s30  }
0x32: {  	s0 =	sor.u32 s3, s0;
	s1 =	sshll.u32 s1, $0x11  }
0x33: {  	s0 =	sor.u32 s1, s0  }
0x34: {  	s0 =	sadd.s32 $0x8F2B, s0  }
0x35: {  	[sflag:s0] =	ssyncadd.remote.s32 $0x1  }
0x36: {  	_ =	sfence.sel $0xFFFF  }
0x37: {  	[dreg:$0x0] =	wrdreg $0xFFFFFFFF;
	(pc) =	sbr.abs _section_cstart, $3  }
0x38: {  	[dreg:$0x1] =	wrdreg $0xFFFFFFFF  }
0x39: {  	_ =	task.clear_ibuf [dreg:s7], $0x2FFFF;
	_ =	strace $0x9FFFFFFF  }
0x3a: {  	(tm) =	ssettm $0x7FFFFFFF  }
0x3b: {  	_ =	shalt  }
tec
execute0_lowered:
.L_overlay_start_1:
0x0: {  	(tag) =	ssettag $0x1  }
0x1: {  	s0 =	srdreg.scid  }
0x2: {  	s1 =	sshll.u32 s0, $0x4  }
0x3: {  	s0 =	stileid.u32;
	s1 =	sand.u32 $0x10, s1  }
0x4: {  	s1 =	sor.u32 s0, s1  }
0x5: {  	s6 =	rddreg [dreg:$0x0];
	s4 =	simm.s32 $0x1;
	s2 =	sshll.u32 s1, $0x7  }
0x6: {  	s7 =	simm.s32 $0x2;
	s12 =	simm.s32 $0x0;
	s1 =	ssub.s32 $0x1000, s2  }
0x7: {  	s8 =	simm.s32 $0x8000;
	s13 =	simm.s32 $0x0;
	s3 =	sand.u32 $0xF80, s1  }
0x8: {  	s9 =	simm.s32 $0x0;
	s5 =	sshrl.u32 s1, $0xC;
	p0 =	sne.s32 s3, $0x0  }
.Ltmp0:
0x9: {  	s1 =	rddreg [dreg:$0x2];
	s4 =	simm.s32 @!p0 $0x0;
	(pc) =	sbr.rel .LBB1_1-.Ltmp0, $4  }
0xa: {  	s11 =	simm.s32 $0x0;
	s3 =	rddreg [dreg:$0x1];
	s5 =	sadd.s32 s4, s5  }
0xb: {  	_ =	strace $0x8000004A;
	s4 =	simm.s32 $0x1;
	s5 =	smul.u32 $0xC8, s5  }
0xc: {  	s6 =	sadd.s32 $0xF43400, s6;
	s10 =	smov.u32 s2;
	[sflag:s4] =	ssyncpa.u1 $0x0  }
0xd: {  	p0 =	por $0x0, $0x0;
	[sflag:s7] =	ssyncpa.u1 $0x0;
	s7 =	sor.u32 $0x1, s5  }
.LBB1_4:
0xe: {  	s16 =	sshll.u32 s13, $0x3;
	s17 =	sand.u32 $0x78, s13  }
0xf: {  	s30 =	sand.u32 $0x7E00, s13;
	s12 =	sshll.u32 s12, $0xF;
	s16 =	sand.u32 $0xC00, s16  }
0x10: {  	[tilespmem:s15+$0x810 ss:$0x81] =	vst.msk $0xffff, v2;
	s31 =	sand.u32 $0x7, s13;
	s16 =	sor.u32 s17, s16;
	s17 =	sadd.s32 s3, s30  }
0x11: {  	[tilespmem:s15+$0x1020 ss:$0x81] =	vst.msk $0xffff, v0;
	s13 =	sshll.u32 s31, $0x12;
	s12 =	sadd.s32 s12, s17;
	s16 =	sshrl.u32 s16, $0x3  }
0x12: {  	[tilespmem:s15+$0x0 ss:$0x81] =	vst.msk $0xffff, v1;
	s13 =	sor.u32 $0x400, s13;
	s12 =	sadd.s32 s16, s12  }
0x13: {  	[hbm4b:s12+s13] =	stream.strided.scatter [tilespmem:s14], [sflag:$0x2], $0x2000, s8, s13, $0x20;
	[tilespmem:$0x8080] =	vst v63  }
.LBB1_5:
0x14: {  	s14 =	sadd.s32 $0x1, s9  }
0x15: {  	s12 =	sadd.s32 $0x1000, s10;
	s16 =	smov.u32 s10;
	p2 =	sgt.s32 s14, $0xC7  }
0x16: {  	s16 =	smov.u32 @p2 s12  }
0x17: {  	s14 =	simm.s32 @p2 $0x0;
	p2 =	sgt.s32 s16, $0xFFF  }
0x18: {  	s16 =	smov.u32 @p2 s2;
	p2 =	sne.s32 s11, s7  }
.Ltmp1:
0x19: {  	p1 =	slt.u32 s11, $0x2;
	(pc) =	sbr.rel @!p2 .LBB1_6-.Ltmp1, $4  }
0x1a: {  	s15 =	simm.s32 @!p1 $0x2  }
0x1b: {  	s13 =	smov.u32 s10;
	p0 =	por !p0, !p0;
	_ =	swait.ge @!p1 [sflag:s15], $0x2000  }
0x1c: {  	s12 =	smov.u32 s9;
	[sflag:s15] =	ssyncset.done @!p1 $0x0;
	s9 =	smov.u32 s14  }
0x1d: {  	s11 =	sadd.s32 $0x1, s11;
	[sflag:s15] =	ssyncadd.s32 @!p1 $0xFFFFE000;
	s10 =	smov.u32 s16  }
.LBB1_1:
0x1e: {  	p1 =	sge.u32 s11, s5  }
0x1f: {  	s14 =	sand.u32 @!p1 $0x1FFFFFF, s9  }
0x20: {  	s15 =	smulhi.u32 @!p1 $0x147AE15, s14;
	_ =	sdelay $0x1  }
0x21: {  	s15 =	smul.u32 @!p1 $0xC8, s15  }
0x22: {  	s16 =	sxor.u32 @!p1 $0xFFFFFFFF, s11;
	s17 =	smul.u32 @!p1 $0xC80, s10  }
0x23: {  	s31 =	sadd.s32 $0xFFFFFFFF, s11;
	s16 =	sshll.u32 @!p1 s16, $0xD;
	s14 =	ssub.s32 @!p1 s14, s15  }
0x24: {  	s15 =	sand.u32 @!p1 $0x2000, s16;
	s16 =	sadd.s32 @!p1 s6, s17;
	s14 =	sshll.u32 @!p1 s14, $0x4  }
0x25: {  	s17 =	simm.s32 @!p1 $0x6400;
	s14 =	sadd.s32 @!p1 s14, s16;
	s16 =	simm.s32 @!p1 $0x40  }
0x26: {  	[tilespmem:s15], [sflag:$0x1] =	stream.strided.gather @!p1 [hbm4b:s14+s16], $0x2000, s17, s16, $0x38;
	[tilespmem:$0x8080] =	vst v63  }
0x27: {  	p1 =	sge.u32 s31, s5  }
.Ltmp2:
0x28: {  	_ = 	snop;
	(pc) =	sbr.rel @p1 .LBB1_5-.Ltmp2, $1  }
0x29: {  	_ =	sdelay $0x3  }
0x2a: {  	s14 =	simm.s32 $0x1  }
0x2b: {  	_ =	swait.ge [sflag:s4], $0x2000;
	s14 =	simm.s32 @!p0 $0x0  }
0x2c: {  	[sflag:s4] =	ssyncset.done $0x0;
	s15 =	sshll.u32 s14, $0xD  }
0x2d: {  	[sflag:s4] =	ssyncadd.s32 $0xFFFFE000;
	s18 =	sor.u32 $0x20, s15  }
0x2e: {  	s14 =	smul.u32 $0x8100, s14;
	v3 =	vld [tilespmem:s18+$0x10]  }
0x2f: {  	s30 =	sand.u32 $0x1, s11;
	v2 =	vld [tilespmem:s18+$0xFFFFFFF0]  }
0x30: {  	s15 =	smul.u32 $0x8100, s30;
	s14 =	sshrl.u32 s14, $0x2;
	v0 =	vld [tilespmem:s18+$0x0]  }
0x31: {  	v1 =	vld [tilespmem:s18+$0xFFFFFFE0];
	s16 =	sor.u32 $0x4000, s14  }
0x32: {  	s31 =	sshrl.u32 s15, $0x2;
	s15 =	sadd.s32 $0x0, s16  }
0x33: {  	s17 =	simm.s32 $0x4;
	s18 =	sadd.s32 $0x40, s18;
	s14 =	sor.u32 $0x4000, s31;
	[tilespmem:s15+$0x1830 ss:$0x81] =	vst.msk $0xffff, v3  }
.LBB1_3:
0x34: {  	v3 =	vld [tilespmem:s18+$0x10];
	p1 =	sne.s32 s17, $0x1FC;
	[tilespmem:s15+$0x810 ss:$0x81] =	vst.msk $0xffff, v2;
	s19 =	smov.u32 s17;
	s17 =	sadd.s32 $0x4, s17  }
.Ltmp3:
0x35: {  	v2 =	vld [tilespmem:s18+$0xFFFFFFF0];
	[tilespmem:s15+$0x1020 ss:$0x81] =	vst.msk $0xffff, v0;
	(pc) =	sbr.rel @p1 .LBB1_3-.Ltmp3, $4  }
0x36: {  	v0 =	vld [tilespmem:s18+$0x0];
	[tilespmem:s15+$0x0 ss:$0x81] =	vst.msk $0xffff, v1  }
0x37: {  	s15 =	sshra.s32 s19, $0x2;
	v1 =	vld [tilespmem:s18+$0xFFFFFFE0]  }
0x38: {  	s15 =	sadd.s32 s15, s16  }
0x39: {  	s18 =	sadd.s32 $0x40, s18;
	[tilespmem:s15+$0x1830 ss:$0x81] =	vst.msk $0xffff, v3  }
.Ltmp4:
0x3a: {  	_ = 	snop;
	(pc) =	sbr.rel .LBB1_4-.Ltmp4, $1  }
0x3b: {  	_ =	sdelay $0x3  }
.LBB1_6:
0x3c: {  	_ =	sfence.sel $0x180000  }
0x3d: {  	s2 =	simm.s32 $0x1;
	[bflag:$0x0] =	sbarrier.arrive $0xFFFF  }
0x3e: {  	s31 =	simm.s32 $0x2;
	[sflag:s2] =	ssyncpa.u1 $0x1  }
0x3f: {  	[sflag:s31] =	ssyncpa.u1 $0x1  }
0x40: {  	p0 =	sne.s32 s0, $0x0;
	_ =	strace $0x9000004A  }
0x41: {  	s0 =	sadd.s32 @!p0 $0x100000, s1;
	[bflag:$0x2] =	sbarrier.arrive $0xFFFF  }
0x42: {  	[sflag:s0] =	ssyncadd.tile.s32 @!p0 $0x1;
	_ =	shalt  }
.Lfunc_end1:
_tile_overlayer_lowered:
.L_overlay_start_2:
0x43: {  	(tag) =	ssettag $0x2  }
0x44: {  	s0 =	rddreg [dreg:$0x0];
	s2 =	stileid.u32  }
0x45: {  	s1 =	rddreg [dreg:$0x1];
	p0 =	sne.s32 s2, $0x0  }
0x46: {  	s3 =	rddreg [dreg:$0x2];
	[bflag:$0x3] =	sbarrier.arrive $0xFFFF;
	s2 =	simm.s32 @!p0 $0x1C01  }
0x47: {  	[timem:s3], [sflag:s2] =	dma.local @!p0 [hbm:s0], s1  }
0x48: {  	s0 =	simm.s32 @!p0 $0x1  }
0x49: {  	_ =	swait.ge @!p0 [sflag:s0], s1  }
0x4a: {  	s1 =	ssub.s32 @!p0 $0x0, s1;
	[sflag:s0] =	ssyncset.done @!p0 $0x0  }
0x4b: {  	[sflag:s0] =	ssyncadd.s32 @!p0 s1  }
0x4c: {  	[bflag:$0x3] =	sbarrier.arrive $0xFFFF  }
0x4d: {  	_ =	shalt  }

</sc_bundles>
